<compile_context>
chip_gen: v7x
topology: tpu7x:2x2x1
jax: 0.10.2.dev20260603
libtpu: 0.0.44.dev20260713+nightly
codegen_flags: <defaults>
</compile_context>

<pallas_src>
import functools

import jax
import jax.numpy as jnp
from jax import lax
from jax.experimental import pallas as pl
from jax.experimental.pallas import tpu as pltpu
from jax.experimental.pallas import tpu_sc as plsc

N_NODES = 10000
D_FEAT = 128
N_EDGES = 320000
BN_EPS = 1e-5

_NC = 2
_NS = 16
_NW = _NC * _NS
_K = 128
_CH = 80
_EW = _K * _CH
_EPAD = _EW * _NW
_NPAD = 10240
_RT = _NPAD // _NS


def _make_sc_agg():
    mesh = plsc.VectorSubcoreMesh(core_axis_name="c", subcore_axis_name="s")

    @functools.partial(
        pl.kernel,
        mesh=mesh,
        out_type=jax.ShapeDtypeStruct((_NC, _NPAD, D_FEAT), jnp.float32),
        scratch_types=[
            pltpu.VMEM((_CH, _K), jnp.int32),
            pltpu.VMEM((_K,), jnp.int32),
            pltpu.VMEM((_K,), jnp.int32),
            pltpu.VMEM((_K,), jnp.int32),
            pltpu.VMEM((_K,), jnp.int32),
            pltpu.VMEM((_K, D_FEAT), jnp.float32),
            pltpu.VMEM((_K, D_FEAT), jnp.float32),
            pltpu.VMEM_SHARED((_NPAD, D_FEAT), jnp.float32),
            pltpu.SemaphoreType.DMA,
            pltpu.SemaphoreType.DMA,
        ],
    )
    def sc_agg(x_hbm, combo_hbm, out_hbm,
               combo_v, src0, src1, dst0, dst1, buf0, buf1, agg, sem0, sem1):
        cid = lax.axis_index("c")
        sid = lax.axis_index("s")
        wid = sid * _NC + cid

        z16 = jnp.zeros((16,), jnp.float32)

        def zbody(i, _):
            r = jnp.int32(i) // (D_FEAT // 16)
            c = jnp.int32(i) % (D_FEAT // 16)
            buf0[r, pl.ds(c * 16, 16)] = z16
            return 0

        lax.fori_loop(jnp.int32(0), jnp.int32(_K * D_FEAT // 16), zbody, 0)
        for q in range(_RT // _K):
            pltpu.sync_copy(buf0, agg.at[pl.ds(sid * _RT + q * _K, _K)])

        pltpu.sync_copy(combo_hbm.at[wid], combo_v)
        plsc.subcore_barrier()

        def unpack(j, src_c, dst_c):
            for v in range(_K // 16):
                cv = combo_v[j, pl.ds(v * 16, 16)]
                src_c[pl.ds(v * 16, 16)] = lax.shift_right_logical(
                    cv, jnp.int32(16))
                dst_c[pl.ds(v * 16, 16)] = lax.bitwise_and(cv, jnp.int32(0xFFFF))

        unpack(jnp.int32(0), src0, dst0)
        pltpu.async_copy(x_hbm.at[src0], buf0, sem0)

        def body(jj, _):
            j = jnp.int32(jj) * 2
            unpack(j + 1, src1, dst1)
            pltpu.async_copy(x_hbm.at[src1], buf1, sem1)
            pltpu.make_async_copy(x_hbm.at[src0], buf0, sem0).wait()
            pltpu.sync_copy(buf0, agg.at[dst0], add=True)

            @pl.when(j + 2 < _CH)
            def _():
                unpack(j + 2, src0, dst0)
                pltpu.async_copy(x_hbm.at[src0], buf0, sem0)

            pltpu.make_async_copy(x_hbm.at[src1], buf1, sem1).wait()
            pltpu.sync_copy(buf1, agg.at[dst1], add=True)
            return 0

        lax.fori_loop(jnp.int32(0), jnp.int32(_CH // 2), body, 0)
        plsc.subcore_barrier()

        pltpu.sync_copy(agg.at[pl.ds(sid * _RT, _RT)],
                        out_hbm.at[cid, pl.ds(sid * _RT, _RT)])

    return sc_agg


def _tc_finish(x_ref, agg_ref, w_ref, b_ref, g_ref, bt_ref, out_ref):
    h = x_ref[...] + agg_ref[0, :N_NODES] + agg_ref[1, :N_NODES]
    lin = lax.dot_general(h, w_ref[...], (((1,), (1,)), ((), ())),
                          preferred_element_type=jnp.float32) + b_ref[...]
    mean = jnp.mean(lin, axis=0, keepdims=True)
    cent = lin - mean
    var = jnp.mean(cent * cent, axis=0, keepdims=True)
    out_ref[...] = cent * lax.rsqrt(var + BN_EPS) * g_ref[...] + bt_ref[...]


def kernel(x, edge_index, W, b, gamma, beta):
    ei = edge_index.astype(jnp.int32)
    pad = _EPAD - N_EDGES
    pad_i = jnp.arange(pad, dtype=jnp.int32)
    combo_pad = jnp.bitwise_or(jnp.left_shift(pad_i % N_NODES, 16),
                               N_NODES + pad_i % (_NPAD - N_NODES))
    combo = jnp.bitwise_or(jnp.left_shift(ei[0], 16), ei[1])
    combo3 = jnp.concatenate([combo, combo_pad]).reshape(_NW, _CH, _K)

    agg = _make_sc_agg()(x, combo3)

    out = pl.pallas_call(
        _tc_finish,
        out_shape=jax.ShapeDtypeStruct((N_NODES, D_FEAT), jnp.float32),
    )(x, agg, W, b.reshape(1, D_FEAT), gamma.reshape(1, D_FEAT),
      beta.reshape(1, D_FEAT))
    return out

# --- scband reference (transcript-rebuilt; emitter-appended) ---
"""Pipeline reference for scband-gin-encoder-43593918054555 (READ-ONLY COPY).

The authoritative reference and input builder live on the scoring server;
editing this copy changes nothing except your own understanding.
"""

import jax
jax.config.update('jax_enable_x64', True)
import jax.numpy as jnp
import numpy as np

N_NODES = 10000
N_EDGES = 320000
D_FEAT = 128
HIDDEN = 128
BN_EPS = 1e-5
GIN_EPS = 0.0  # GINConv default eps=0, train_eps=False


def setup_inputs(seed: int = 0) -> dict:
    key = jax.random.key(seed)
    k1, k2, k3 = jax.random.split(key, 3)
    x = jax.random.normal(k1, (N_NODES, D_FEAT), dtype=jnp.float32)
    edge_index = jax.random.randint(k2, (2, N_EDGES), 0, N_NODES, dtype=jnp.int64)
    # Linear(num_features, hidden) params
    bound = 1.0 / np.sqrt(D_FEAT)
    W = jax.random.uniform(k3, (HIDDEN, D_FEAT), dtype=jnp.float32, minval=-bound, maxval=bound)
    b = jnp.zeros((HIDDEN,), dtype=jnp.float32)
    # BatchNorm1d(hidden) affine params
    gamma = jnp.ones((HIDDEN,), dtype=jnp.float32)
    beta = jnp.zeros((HIDDEN,), dtype=jnp.float32)
    return {"x": x, "edge_index": edge_index, "W": W, "b": b, "gamma": gamma, "beta": beta}


def reference(x, edge_index, W, b, gamma, beta):
    src = edge_index[0]
    dst = edge_index[1]
    # GINConv message passing: sum-aggregate source features at destination nodes
    msgs = jnp.take(x, src, axis=0)
    agg = jax.ops.segment_sum(msgs, dst, num_segments=N_NODES)
    h = (1.0 + GIN_EPS) * x + agg
    # mlp = Linear -> BatchNorm1d (training-mode batch statistics)
    lin = h @ W.T + b
    mean = jnp.mean(lin, axis=0)
    var = jnp.var(lin, axis=0)
    out = (lin - mean) / jnp.sqrt(var + BN_EPS) * gamma + beta
    return out

if __name__ == "__main__":
    import jax
    _d = setup_inputs()
    print(jax.jit(kernel)(*tuple(_d.values())))

</pallas_src>

<mosaic_0001>
#map = affine_map<(d0, d1) -> (0, 0)>
#map1 = affine_map<(d0, d1) -> (0, 0, 0)>
module attributes {stable_mosaic.version = 14 : i64} {
  func.func @sc_agg(%arg0: i32, %arg1: i32, %arg2: memref<10000x128xf32, #tpu.memory_space<hbm>>, %arg3: memref<32x80x128xi32, #tpu.memory_space<hbm>>, %arg4: memref<2x10240x128xf32, #tpu.memory_space<hbm>>, %arg5: memref<80x128xi32, #tpu.memory_space<vmem>>, %arg6: memref<128xi32, #tpu.memory_space<vmem>>, %arg7: memref<128xi32, #tpu.memory_space<vmem>>, %arg8: memref<128xi32, #tpu.memory_space<vmem>>, %arg9: memref<128xi32, #tpu.memory_space<vmem>>, %arg10: memref<128x128xf32, #tpu.memory_space<vmem>>, %arg11: memref<128x128xf32, #tpu.memory_space<vmem>>, %arg12: memref<10240x128xf32, #tpu.memory_space<vmem_shared>>, %arg13: memref<!tpu.dma_semaphore, #tpu.memory_space<semaphore_mem>>, %arg14: memref<!tpu.dma_semaphore, #tpu.memory_space<semaphore_mem>>) attributes {dimension_semantics = [#tpu.dimension_semantics<core_parallel>, #tpu.dimension_semantics<subcore_parallel>], iteration_bounds = array<i64: 2, 16>, scalar_prefetch = 0 : i64, scratch_operands = 10 : i64, tpu.core_type = #tpu.core_type<sc_vector_subcore>, window_params = [{transform_indices = #map}, {transform_indices = #map1}, {transform_indices = #map1}]} {
    %mul3A = arith.constant 2 : i32
    %mul3A_0 = arith.muli %arg1, %mul3A : i32
    %add3A = arith.addi %mul3A_0, %arg0 : i32
    %broadcast_in_dim3A = arith.constant 0.000000e+00 : f32
    %broadcast_in_dim3A_1 = vector.broadcast %broadcast_in_dim3A : f32 to vector<16xf32>
    %while3A = arith.constant 0 : i32
    %while3A_2 = arith.constant 1024 : i32
    %while3A_3 = arith.constant 0 : i64
    %while3A_4 = arith.subi %while3A_2, %while3A : i32
    %while3A_5 = arith.addi %while3A, %while3A_4 : i32
    %while3A_6 = arith.constant 1 : i32
    %while3A_7 = arith.divsi %while3A_4, %while3A_6 : i32
    %while3A_8 = arith.muli %while3A_7, %while3A_6 : i32
    %while3A_9 = arith.addi %while3A, %while3A_8 : i32
    %while3A_10 = arith.constant 1 : i32
    %while3A_11 = scf.for %while3A_202 = %while3A to %while3A_9 step %while3A_10 iter_args(%while3A_203 = %while3A_3) -> (i64)  : i32 {
      %jit3A = arith.constant 8 : i64
      %convert_element_type3A = arith.trunci %jit3A : i64 to i32
      %div3A = arith.divsi %while3A_202, %convert_element_type3A : i32
      %sign3A = arith.constant 0 : i32
      %sign3A_204 = arith.cmpi sgt, %while3A_202, %sign3A : i32
      %sign3A_205 = arith.extui %sign3A_204 : i1 to i32
      %sign3A_206 = arith.constant 0 : i32
      %sign3A_207 = arith.cmpi slt, %while3A_202, %sign3A_206 : i32
      %sign3A_208 = arith.extui %sign3A_207 : i1 to i32
      %sign3A_209 = arith.subi %sign3A_205, %sign3A_208 : i32
      %sign3A_210 = arith.constant 0 : i32
      %sign3A_211 = arith.cmpi sgt, %convert_element_type3A, %sign3A_210 : i32
      %sign3A_212 = arith.extui %sign3A_211 : i1 to i32
      %sign3A_213 = arith.constant 0 : i32
      %sign3A_214 = arith.cmpi slt, %convert_element_type3A, %sign3A_213 : i32
      %sign3A_215 = arith.extui %sign3A_214 : i1 to i32
      %sign3A_216 = arith.subi %sign3A_212, %sign3A_215 : i32
      %ne3A = arith.cmpi ne, %sign3A_209, %sign3A_216 : i32
      %rem3A = arith.remsi %while3A_202, %convert_element_type3A : i32
      %ne3A_217 = arith.constant 0 : i32
      %ne3A_218 = arith.cmpi ne, %rem3A, %ne3A_217 : i32
      %and3A_219 = arith.andi %ne3A, %ne3A_218 : i1
      %sub3A = arith.constant 1 : i32
      %sub3A_220 = arith.subi %div3A, %sub3A : i32
      %select_n3A = arith.select %and3A_219, %sub3A_220, %div3A : i32
      %jit3A_221 = arith.constant 8 : i64
      %convert_element_type3A_222 = arith.trunci %jit3A_221 : i64 to i32
      %eq3A = arith.constant 0 : i32
      %eq3A_223 = arith.cmpi eq, %convert_element_type3A_222, %eq3A : i32
      %jit3A_224 = arith.constant 1 : i32
      %select_n3A_225 = arith.select %eq3A_223, %jit3A_224, %convert_element_type3A_222 : i32
      %rem3A_226 = arith.remsi %while3A_202, %select_n3A_225 : i32
      %ne3A_227 = arith.constant 0 : i32
      %ne3A_228 = arith.cmpi ne, %rem3A_226, %ne3A_227 : i32
      %lt3A = arith.constant 0 : i32
      %lt3A_229 = arith.cmpi slt, %rem3A_226, %lt3A : i32
      %lt3A_230 = arith.constant 0 : i32
      %lt3A_231 = arith.cmpi slt, %select_n3A_225, %lt3A_230 : i32
      %ne3A_232 = arith.xori %lt3A_229, %lt3A_231 : i1
      %and3A_233 = arith.andi %ne3A_232, %ne3A_228 : i1
      %add3A_234 = arith.addi %rem3A_226, %select_n3A_225 : i32
      %select_n3A_235 = arith.select %and3A_233, %add3A_234, %rem3A_226 : i32
      %mul3A_236 = arith.constant 16 : i32
      %mul3A_237 = arith.muli %select_n3A_235, %mul3A_236 : i32
      %swap3A_238 = arith.index_cast %select_n3A : i32 to index
      %swap3A_239 = arith.index_cast %mul3A_237 : i32 to index
      %swap3A_240 = tpu.vector_load %arg10[%swap3A_238, %swap3A_239] {strides = array<i32>} : memref<128x128xf32, #tpu.memory_space<vmem>>, vector<1x16xf32>,
      %swap3A_241 = vector.shape_cast %swap3A_240 : vector<1x16xf32> to vector<16xf32>
      %swap3A_242 = vector.shape_cast %broadcast_in_dim3A_1 : vector<16xf32> to vector<1x16xf32>
      tpu.vector_store %arg10[%swap3A_238, %swap3A_239], %swap3A_242 {strides = array<i32>} : memref<128x128xf32, #tpu.memory_space<vmem>>, vector<1x16xf32>,
      %while3A_243 = arith.constant 0 : i64
      scf.yield %while3A_243 : i64
    }
    %while3A_12 = arith.constant 1 : i32
    %while3A_13 = scf.for %while3A_202 = %while3A_9 to %while3A_5 step %while3A_12 iter_args(%while3A_203 = %while3A_11) -> (i64)  : i32 {
      %jit3A = arith.constant 8 : i64
      %convert_element_type3A = arith.trunci %jit3A : i64 to i32
      %div3A = arith.divsi %while3A_202, %convert_element_type3A : i32
      %sign3A = arith.constant 0 : i32
      %sign3A_204 = arith.cmpi sgt, %while3A_202, %sign3A : i32
      %sign3A_205 = arith.extui %sign3A_204 : i1 to i32
      %sign3A_206 = arith.constant 0 : i32
      %sign3A_207 = arith.cmpi slt, %while3A_202, %sign3A_206 : i32
      %sign3A_208 = arith.extui %sign3A_207 : i1 to i32
      %sign3A_209 = arith.subi %sign3A_205, %sign3A_208 : i32
      %sign3A_210 = arith.constant 0 : i32
      %sign3A_211 = arith.cmpi sgt, %convert_element_type3A, %sign3A_210 : i32
      %sign3A_212 = arith.extui %sign3A_211 : i1 to i32
      %sign3A_213 = arith.constant 0 : i32
      %sign3A_214 = arith.cmpi slt, %convert_element_type3A, %sign3A_213 : i32
      %sign3A_215 = arith.extui %sign3A_214 : i1 to i32
      %sign3A_216 = arith.subi %sign3A_212, %sign3A_215 : i32
      %ne3A = arith.cmpi ne, %sign3A_209, %sign3A_216 : i32
      %rem3A = arith.remsi %while3A_202, %convert_element_type3A : i32
      %ne3A_217 = arith.constant 0 : i32
      %ne3A_218 = arith.cmpi ne, %rem3A, %ne3A_217 : i32
      %and3A_219 = arith.andi %ne3A, %ne3A_218 : i1
      %sub3A = arith.constant 1 : i32
      %sub3A_220 = arith.subi %div3A, %sub3A : i32
      %select_n3A = arith.select %and3A_219, %sub3A_220, %div3A : i32
      %jit3A_221 = arith.constant 8 : i64
      %convert_element_type3A_222 = arith.trunci %jit3A_221 : i64 to i32
      %eq3A = arith.constant 0 : i32
      %eq3A_223 = arith.cmpi eq, %convert_element_type3A_222, %eq3A : i32
      %jit3A_224 = arith.constant 1 : i32
      %select_n3A_225 = arith.select %eq3A_223, %jit3A_224, %convert_element_type3A_222 : i32
      %rem3A_226 = arith.remsi %while3A_202, %select_n3A_225 : i32
      %ne3A_227 = arith.constant 0 : i32
      %ne3A_228 = arith.cmpi ne, %rem3A_226, %ne3A_227 : i32
      %lt3A = arith.constant 0 : i32
      %lt3A_229 = arith.cmpi slt, %rem3A_226, %lt3A : i32
      %lt3A_230 = arith.constant 0 : i32
      %lt3A_231 = arith.cmpi slt, %select_n3A_225, %lt3A_230 : i32
      %ne3A_232 = arith.xori %lt3A_229, %lt3A_231 : i1
      %and3A_233 = arith.andi %ne3A_232, %ne3A_228 : i1
      %add3A_234 = arith.addi %rem3A_226, %select_n3A_225 : i32
      %select_n3A_235 = arith.select %and3A_233, %add3A_234, %rem3A_226 : i32
      %mul3A_236 = arith.constant 16 : i32
      %mul3A_237 = arith.muli %select_n3A_235, %mul3A_236 : i32
      %swap3A_238 = arith.index_cast %select_n3A : i32 to index
      %swap3A_239 = arith.index_cast %mul3A_237 : i32 to index
      %swap3A_240 = tpu.vector_load %arg10[%swap3A_238, %swap3A_239] {strides = array<i32>} : memref<128x128xf32, #tpu.memory_space<vmem>>, vector<1x16xf32>,
      %swap3A_241 = vector.shape_cast %swap3A_240 : vector<1x16xf32> to vector<16xf32>
      %swap3A_242 = vector.shape_cast %broadcast_in_dim3A_1 : vector<16xf32> to vector<1x16xf32>
      tpu.vector_store %arg10[%swap3A_238, %swap3A_239], %swap3A_242 {strides = array<i32>} : memref<128x128xf32, #tpu.memory_space<vmem>>, vector<1x16xf32>,
      %while3A_243 = arith.constant 0 : i64
      scf.yield %while3A_243 : i64
    }
    %mul3A_14 = arith.constant 640 : i32
    %mul3A_15 = arith.muli %arg1, %mul3A_14 : i32
    %add3A_16 = arith.constant 0 : i32
    %add3A_17 = arith.addi %mul3A_15, %add3A_16 : i32
    "tpu.region"() ({
      %run_scoped3A = tpu.sem_alloc : memref<!tpu.dma_semaphore, #tpu.memory_space<semaphore_mem>>
      %dma_start3A_202 = arith.constant 0 : i32
      %dma_start3A_203 = tpu.memref_slice %arg12[%add3A_17, %dma_start3A_202] : memref<10240x128xf32, #tpu.memory_space<vmem_shared>> -> memref<128x128xf32, #tpu.memory_space<vmem_shared>>
      %dma_start3A_204 = arith.constant 0 : i32
      %dma_start3A_205 = tpu.memref_slice %arg12[%add3A_17, %dma_start3A_204] : memref<10240x128xf32, #tpu.memory_space<vmem_shared>> -> memref<128x128xf32, #tpu.memory_space<vmem_shared>>
      tpu.enqueue_dma source(%arg10 : memref<128x128xf32, #tpu.memory_space<vmem>>) target(%dma_start3A_205 : memref<128x128xf32, #tpu.memory_space<vmem_shared>>) target_semaphore(%run_scoped3A : memref<!tpu.dma_semaphore, #tpu.memory_space<semaphore_mem>>)
      %dma_wait3A = arith.constant 0 : i32
      %dma_wait3A_206 = tpu.memref_slice %arg12[%add3A_17, %dma_wait3A] : memref<10240x128xf32, #tpu.memory_space<vmem_shared>> -> memref<128x128xf32, #tpu.memory_space<vmem_shared>>
      %dma_wait3A_207 = arith.constant 0 : i32
      %dma_wait3A_208 = tpu.memref_slice %arg12[%add3A_17, %dma_wait3A_207] : memref<10240x128xf32, #tpu.memory_space<vmem_shared>> -> memref<128x128xf32, #tpu.memory_space<vmem_shared>>
      tpu.wait_dma2 semaphore(%run_scoped3A : memref<!tpu.dma_semaphore, #tpu.memory_space<semaphore_mem>>) src(%arg10 : memref<128x128xf32, #tpu.memory_space<vmem>>) dst(%dma_wait3A_208 : memref<128x128xf32, #tpu.memory_space<vmem_shared>>)
      tpu.yield
    }) : () -> ()
    %mul3A_18 = arith.constant 640 : i32
    %mul3A_19 = arith.muli %arg1, %mul3A_18 : i32
    %add3A_20 = arith.constant 128 : i32
    %add3A_21 = arith.addi %mul3A_19, %add3A_20 : i32
    "tpu.region"() ({
      %run_scoped3A = tpu.sem_alloc : memref<!tpu.dma_semaphore, #tpu.memory_space<semaphore_mem>>
      %dma_start3A_202 = arith.constant 0 : i32
      %dma_start3A_203 = tpu.memref_slice %arg12[%add3A_21, %dma_start3A_202] : memref<10240x128xf32, #tpu.memory_space<vmem_shared>> -> memref<128x128xf32, #tpu.memory_space<vmem_shared>>
      %dma_start3A_204 = arith.constant 0 : i32
      %dma_start3A_205 = tpu.memref_slice %arg12[%add3A_21, %dma_start3A_204] : memref<10240x128xf32, #tpu.memory_space<vmem_shared>> -> memref<128x128xf32, #tpu.memory_space<vmem_shared>>
      tpu.enqueue_dma source(%arg10 : memref<128x128xf32, #tpu.memory_space<vmem>>) target(%dma_start3A_205 : memref<128x128xf32, #tpu.memory_space<vmem_shared>>) target_semaphore(%run_scoped3A : memref<!tpu.dma_semaphore, #tpu.memory_space<semaphore_mem>>)
      %dma_wait3A = arith.constant 0 : i32
      %dma_wait3A_206 = tpu.memref_slice %arg12[%add3A_21, %dma_wait3A] : memref<10240x128xf32, #tpu.memory_space<vmem_shared>> -> memref<128x128xf32, #tpu.memory_space<vmem_shared>>
      %dma_wait3A_207 = arith.constant 0 : i32
      %dma_wait3A_208 = tpu.memref_slice %arg12[%add3A_21, %dma_wait3A_207] : memref<10240x128xf32, #tpu.memory_space<vmem_shared>> -> memref<128x128xf32, #tpu.memory_space<vmem_shared>>
      tpu.wait_dma2 semaphore(%run_scoped3A : memref<!tpu.dma_semaphore, #tpu.memory_space<semaphore_mem>>) src(%arg10 : memref<128x128xf32, #tpu.memory_space<vmem>>) dst(%dma_wait3A_208 : memref<128x128xf32, #tpu.memory_space<vmem_shared>>)
      tpu.yield
    }) : () -> ()
    %mul3A_22 = arith.constant 640 : i32
    %mul3A_23 = arith.muli %arg1, %mul3A_22 : i32
    %add3A_24 = arith.constant 256 : i32
    %add3A_25 = arith.addi %mul3A_23, %add3A_24 : i32
    "tpu.region"() ({
      %run_scoped3A = tpu.sem_alloc : memref<!tpu.dma_semaphore, #tpu.memory_space<semaphore_mem>>
      %dma_start3A_202 = arith.constant 0 : i32
      %dma_start3A_203 = tpu.memref_slice %arg12[%add3A_25, %dma_start3A_202] : memref<10240x128xf32, #tpu.memory_space<vmem_shared>> -> memref<128x128xf32, #tpu.memory_space<vmem_shared>>
      %dma_start3A_204 = arith.constant 0 : i32
      %dma_start3A_205 = tpu.memref_slice %arg12[%add3A_25, %dma_start3A_204] : memref<10240x128xf32, #tpu.memory_space<vmem_shared>> -> memref<128x128xf32, #tpu.memory_space<vmem_shared>>
      tpu.enqueue_dma source(%arg10 : memref<128x128xf32, #tpu.memory_space<vmem>>) target(%dma_start3A_205 : memref<128x128xf32, #tpu.memory_space<vmem_shared>>) target_semaphore(%run_scoped3A : memref<!tpu.dma_semaphore, #tpu.memory_space<semaphore_mem>>)
      %dma_wait3A = arith.constant 0 : i32
      %dma_wait3A_206 = tpu.memref_slice %arg12[%add3A_25, %dma_wait3A] : memref<10240x128xf32, #tpu.memory_space<vmem_shared>> -> memref<128x128xf32, #tpu.memory_space<vmem_shared>>
      %dma_wait3A_207 = arith.constant 0 : i32
      %dma_wait3A_208 = tpu.memref_slice %arg12[%add3A_25, %dma_wait3A_207] : memref<10240x128xf32, #tpu.memory_space<vmem_shared>> -> memref<128x128xf32, #tpu.memory_space<vmem_shared>>
      tpu.wait_dma2 semaphore(%run_scoped3A : memref<!tpu.dma_semaphore, #tpu.memory_space<semaphore_mem>>) src(%arg10 : memref<128x128xf32, #tpu.memory_space<vmem>>) dst(%dma_wait3A_208 : memref<128x128xf32, #tpu.memory_space<vmem_shared>>)
      tpu.yield
    }) : () -> ()
    %mul3A_26 = arith.constant 640 : i32
    %mul3A_27 = arith.muli %arg1, %mul3A_26 : i32
    %add3A_28 = arith.constant 384 : i32
    %add3A_29 = arith.addi %mul3A_27, %add3A_28 : i32
    "tpu.region"() ({
      %run_scoped3A = tpu.sem_alloc : memref<!tpu.dma_semaphore, #tpu.memory_space<semaphore_mem>>
      %dma_start3A_202 = arith.constant 0 : i32
      %dma_start3A_203 = tpu.memref_slice %arg12[%add3A_29, %dma_start3A_202] : memref<10240x128xf32, #tpu.memory_space<vmem_shared>> -> memref<128x128xf32, #tpu.memory_space<vmem_shared>>
      %dma_start3A_204 = arith.constant 0 : i32
      %dma_start3A_205 = tpu.memref_slice %arg12[%add3A_29, %dma_start3A_204] : memref<10240x128xf32, #tpu.memory_space<vmem_shared>> -> memref<128x128xf32, #tpu.memory_space<vmem_shared>>
      tpu.enqueue_dma source(%arg10 : memref<128x128xf32, #tpu.memory_space<vmem>>) target(%dma_start3A_205 : memref<128x128xf32, #tpu.memory_space<vmem_shared>>) target_semaphore(%run_scoped3A : memref<!tpu.dma_semaphore, #tpu.memory_space<semaphore_mem>>)
      %dma_wait3A = arith.constant 0 : i32
      %dma_wait3A_206 = tpu.memref_slice %arg12[%add3A_29, %dma_wait3A] : memref<10240x128xf32, #tpu.memory_space<vmem_shared>> -> memref<128x128xf32, #tpu.memory_space<vmem_shared>>
      %dma_wait3A_207 = arith.constant 0 : i32
      %dma_wait3A_208 = tpu.memref_slice %arg12[%add3A_29, %dma_wait3A_207] : memref<10240x128xf32, #tpu.memory_space<vmem_shared>> -> memref<128x128xf32, #tpu.memory_space<vmem_shared>>
      tpu.wait_dma2 semaphore(%run_scoped3A : memref<!tpu.dma_semaphore, #tpu.memory_space<semaphore_mem>>) src(%arg10 : memref<128x128xf32, #tpu.memory_space<vmem>>) dst(%dma_wait3A_208 : memref<128x128xf32, #tpu.memory_space<vmem_shared>>)
      tpu.yield
    }) : () -> ()
    %mul3A_30 = arith.constant 640 : i32
    %mul3A_31 = arith.muli %arg1, %mul3A_30 : i32
    %add3A_32 = arith.constant 512 : i32
    %add3A_33 = arith.addi %mul3A_31, %add3A_32 : i32
    "tpu.region"() ({
      %run_scoped3A = tpu.sem_alloc : memref<!tpu.dma_semaphore, #tpu.memory_space<semaphore_mem>>
      %dma_start3A_202 = arith.constant 0 : i32
      %dma_start3A_203 = tpu.memref_slice %arg12[%add3A_33, %dma_start3A_202] : memref<10240x128xf32, #tpu.memory_space<vmem_shared>> -> memref<128x128xf32, #tpu.memory_space<vmem_shared>>
      %dma_start3A_204 = arith.constant 0 : i32
      %dma_start3A_205 = tpu.memref_slice %arg12[%add3A_33, %dma_start3A_204] : memref<10240x128xf32, #tpu.memory_space<vmem_shared>> -> memref<128x128xf32, #tpu.memory_space<vmem_shared>>
      tpu.enqueue_dma source(%arg10 : memref<128x128xf32, #tpu.memory_space<vmem>>) target(%dma_start3A_205 : memref<128x128xf32, #tpu.memory_space<vmem_shared>>) target_semaphore(%run_scoped3A : memref<!tpu.dma_semaphore, #tpu.memory_space<semaphore_mem>>)
      %dma_wait3A = arith.constant 0 : i32
      %dma_wait3A_206 = tpu.memref_slice %arg12[%add3A_33, %dma_wait3A] : memref<10240x128xf32, #tpu.memory_space<vmem_shared>> -> memref<128x128xf32, #tpu.memory_space<vmem_shared>>
      %dma_wait3A_207 = arith.constant 0 : i32
      %dma_wait3A_208 = tpu.memref_slice %arg12[%add3A_33, %dma_wait3A_207] : memref<10240x128xf32, #tpu.memory_space<vmem_shared>> -> memref<128x128xf32, #tpu.memory_space<vmem_shared>>
      tpu.wait_dma2 semaphore(%run_scoped3A : memref<!tpu.dma_semaphore, #tpu.memory_space<semaphore_mem>>) src(%arg10 : memref<128x128xf32, #tpu.memory_space<vmem>>) dst(%dma_wait3A_208 : memref<128x128xf32, #tpu.memory_space<vmem_shared>>)
      tpu.yield
    }) : () -> ()
    "tpu.region"() ({
      %run_scoped3A = tpu.sem_alloc : memref<!tpu.dma_semaphore, #tpu.memory_space<semaphore_mem>>
      %dma_start3A_202 = arith.constant 0 : i32
      %dma_start3A_203 = arith.constant 0 : i32
      %dma_start3A_204 = tpu.memref_slice %arg3[%add3A, %dma_start3A_202, %dma_start3A_203] : memref<32x80x128xi32, #tpu.memory_space<hbm>> -> memref<1x80x128xi32, #tpu.memory_space<hbm>>
      %dma_start3A_205 = tpu.memref_squeeze %dma_start3A_204 : memref<1x80x128xi32, #tpu.memory_space<hbm>> -> memref<80x128xi32, #tpu.memory_space<hbm>>
      %dma_start3A_206 = arith.constant 0 : i32
      %dma_start3A_207 = arith.constant 0 : i32
      %dma_start3A_208 = tpu.memref_slice %arg3[%add3A, %dma_start3A_206, %dma_start3A_207] : memref<32x80x128xi32, #tpu.memory_space<hbm>> -> memref<1x80x128xi32, #tpu.memory_space<hbm>>
      %dma_start3A_209 = tpu.memref_squeeze %dma_start3A_208 : memref<1x80x128xi32, #tpu.memory_space<hbm>> -> memref<80x128xi32, #tpu.memory_space<hbm>>
      tpu.enqueue_dma source(%dma_start3A_209 : memref<80x128xi32, #tpu.memory_space<hbm>>) target(%arg5 : memref<80x128xi32, #tpu.memory_space<vmem>>) target_semaphore(%run_scoped3A : memref<!tpu.dma_semaphore, #tpu.memory_space<semaphore_mem>>)
      %dma_wait3A = arith.constant 0 : i32
      %dma_wait3A_210 = arith.constant 0 : i32
      %dma_wait3A_211 = tpu.memref_slice %arg3[%add3A, %dma_wait3A, %dma_wait3A_210] : memref<32x80x128xi32, #tpu.memory_space<hbm>> -> memref<1x80x128xi32, #tpu.memory_space<hbm>>
      %dma_wait3A_212 = tpu.memref_squeeze %dma_wait3A_211 : memref<1x80x128xi32, #tpu.memory_space<hbm>> -> memref<80x128xi32, #tpu.memory_space<hbm>>
      %dma_wait3A_213 = arith.constant 0 : i32
      %dma_wait3A_214 = arith.constant 0 : i32
      %dma_wait3A_215 = tpu.memref_slice %arg3[%add3A, %dma_wait3A_213, %dma_wait3A_214] : memref<32x80x128xi32, #tpu.memory_space<hbm>> -> memref<1x80x128xi32, #tpu.memory_space<hbm>>
      %dma_wait3A_216 = tpu.memref_squeeze %dma_wait3A_215 : memref<1x80x128xi32, #tpu.memory_space<hbm>> -> memref<80x128xi32, #tpu.memory_space<hbm>>
      tpu.wait_dma2 semaphore(%run_scoped3A : memref<!tpu.dma_semaphore, #tpu.memory_space<semaphore_mem>>) src(%dma_wait3A_216 : memref<80x128xi32, #tpu.memory_space<hbm>>) dst(%arg5 : memref<80x128xi32, #tpu.memory_space<vmem>>)
      tpu.yield
    }) : () -> ()
    %barrier3A = arith.constant 0 : index
    tpu.barrier barrier_id(%barrier3A)
    %get3A = arith.constant 0 : i32
    %get3A_34 = arith.index_cast %get3A : i32 to index
    %get3A_35 = arith.constant 0 : index
    %get3A_36 = tpu.vector_load %arg5[%get3A_34, %get3A_35] {strides = array<i32>} : memref<80x128xi32, #tpu.memory_space<vmem>>, vector<1x16xi32>,
    %get3A_37 = vector.shape_cast %get3A_36 : vector<1x16xi32> to vector<16xi32>
    %shift_right_logical3A = arith.constant 16 : i32
    %shift_right_logical3A_38 = vector.broadcast %shift_right_logical3A : i32 to vector<16xi32>
    %shift_right_logical3A_39 = arith.shrui %get3A_37, %shift_right_logical3A_38 : vector<16xi32>
    %swap3A = arith.constant 0 : index
    %swap3A_40 = tpu.vector_load %arg6[%swap3A] {strides = array<i32>} : memref<128xi32, #tpu.memory_space<vmem>>, vector<16xi32>,
    %swap3A_41 = vector.shape_cast %swap3A_40 : vector<16xi32> to vector<16xi32>
    %swap3A_42 = vector.shape_cast %shift_right_logical3A_39 : vector<16xi32> to vector<16xi32>
    tpu.vector_store %arg6[%swap3A], %swap3A_42 {strides = array<i32>} : memref<128xi32, #tpu.memory_space<vmem>>, vector<16xi32>,
    %and3A = arith.constant 65535 : i32
    %and3A_43 = vector.broadcast %and3A : i32 to vector<16xi32>
    %and3A_44 = arith.andi %get3A_37, %and3A_43 : vector<16xi32>
    %swap3A_45 = arith.constant 0 : index
    %swap3A_46 = tpu.vector_load %arg8[%swap3A_45] {strides = array<i32>} : memref<128xi32, #tpu.memory_space<vmem>>, vector<16xi32>,
    %swap3A_47 = vector.shape_cast %swap3A_46 : vector<16xi32> to vector<16xi32>
    %swap3A_48 = vector.shape_cast %and3A_44 : vector<16xi32> to vector<16xi32>
    tpu.vector_store %arg8[%swap3A_45], %swap3A_48 {strides = array<i32>} : memref<128xi32, #tpu.memory_space<vmem>>, vector<16xi32>,
    %get3A_49 = arith.constant 0 : i32
    %get3A_50 = arith.index_cast %get3A_49 : i32 to index
    %get3A_51 = arith.constant 16 : index
    %get3A_52 = tpu.vector_load %arg5[%get3A_50, %get3A_51] {strides = array<i32>} : memref<80x128xi32, #tpu.memory_space<vmem>>, vector<1x16xi32>,
    %get3A_53 = vector.shape_cast %get3A_52 : vector<1x16xi32> to vector<16xi32>
    %shift_right_logical3A_54 = arith.constant 16 : i32
    %shift_right_logical3A_55 = vector.broadcast %shift_right_logical3A_54 : i32 to vector<16xi32>
    %shift_right_logical3A_56 = arith.shrui %get3A_53, %shift_right_logical3A_55 : vector<16xi32>
    %swap3A_57 = arith.constant 16 : index
    %swap3A_58 = tpu.vector_load %arg6[%swap3A_57] {strides = array<i32>} : memref<128xi32, #tpu.memory_space<vmem>>, vector<16xi32>,
    %swap3A_59 = vector.shape_cast %swap3A_58 : vector<16xi32> to vector<16xi32>
    %swap3A_60 = vector.shape_cast %shift_right_logical3A_56 : vector<16xi32> to vector<16xi32>
    tpu.vector_store %arg6[%swap3A_57], %swap3A_60 {strides = array<i32>} : memref<128xi32, #tpu.memory_space<vmem>>, vector<16xi32>,
    %and3A_61 = arith.constant 65535 : i32
    %and3A_62 = vector.broadcast %and3A_61 : i32 to vector<16xi32>
    %and3A_63 = arith.andi %get3A_53, %and3A_62 : vector<16xi32>
    %swap3A_64 = arith.constant 16 : index
    %swap3A_65 = tpu.vector_load %arg8[%swap3A_64] {strides = array<i32>} : memref<128xi32, #tpu.memory_space<vmem>>, vector<16xi32>,
    %swap3A_66 = vector.shape_cast %swap3A_65 : vector<16xi32> to vector<16xi32>
    %swap3A_67 = vector.shape_cast %and3A_63 : vector<16xi32> to vector<16xi32>
    tpu.vector_store %arg8[%swap3A_64], %swap3A_67 {strides = array<i32>} : memref<128xi32, #tpu.memory_space<vmem>>, vector<16xi32>,
    %get3A_68 = arith.constant 0 : i32
    %get3A_69 = arith.index_cast %get3A_68 : i32 to index
    %get3A_70 = arith.constant 32 : index
    %get3A_71 = tpu.vector_load %arg5[%get3A_69, %get3A_70] {strides = array<i32>} : memref<80x128xi32, #tpu.memory_space<vmem>>, vector<1x16xi32>,
    %get3A_72 = vector.shape_cast %get3A_71 : vector<1x16xi32> to vector<16xi32>
    %shift_right_logical3A_73 = arith.constant 16 : i32
    %shift_right_logical3A_74 = vector.broadcast %shift_right_logical3A_73 : i32 to vector<16xi32>
    %shift_right_logical3A_75 = arith.shrui %get3A_72, %shift_right_logical3A_74 : vector<16xi32>
    %swap3A_76 = arith.constant 32 : index
    %swap3A_77 = tpu.vector_load %arg6[%swap3A_76] {strides = array<i32>} : memref<128xi32, #tpu.memory_space<vmem>>, vector<16xi32>,
    %swap3A_78 = vector.shape_cast %swap3A_77 : vector<16xi32> to vector<16xi32>
    %swap3A_79 = vector.shape_cast %shift_right_logical3A_75 : vector<16xi32> to vector<16xi32>
    tpu.vector_store %arg6[%swap3A_76], %swap3A_79 {strides = array<i32>} : memref<128xi32, #tpu.memory_space<vmem>>, vector<16xi32>,
    %and3A_80 = arith.constant 65535 : i32
    %and3A_81 = vector.broadcast %and3A_80 : i32 to vector<16xi32>
    %and3A_82 = arith.andi %get3A_72, %and3A_81 : vector<16xi32>
    %swap3A_83 = arith.constant 32 : index
    %swap3A_84 = tpu.vector_load %arg8[%swap3A_83] {strides = array<i32>} : memref<128xi32, #tpu.memory_space<vmem>>, vector<16xi32>,
    %swap3A_85 = vector.shape_cast %swap3A_84 : vector<16xi32> to vector<16xi32>
    %swap3A_86 = vector.shape_cast %and3A_82 : vector<16xi32> to vector<16xi32>
    tpu.vector_store %arg8[%swap3A_83], %swap3A_86 {strides = array<i32>} : memref<128xi32, #tpu.memory_space<vmem>>, vector<16xi32>,
    %get3A_87 = arith.constant 0 : i32
    %get3A_88 = arith.index_cast %get3A_87 : i32 to index
    %get3A_89 = arith.constant 48 : index
    %get3A_90 = tpu.vector_load %arg5[%get3A_88, %get3A_89] {strides = array<i32>} : memref<80x128xi32, #tpu.memory_space<vmem>>, vector<1x16xi32>,
    %get3A_91 = vector.shape_cast %get3A_90 : vector<1x16xi32> to vector<16xi32>
    %shift_right_logical3A_92 = arith.constant 16 : i32
    %shift_right_logical3A_93 = vector.broadcast %shift_right_logical3A_92 : i32 to vector<16xi32>
    %shift_right_logical3A_94 = arith.shrui %get3A_91, %shift_right_logical3A_93 : vector<16xi32>
    %swap3A_95 = arith.constant 48 : index
    %swap3A_96 = tpu.vector_load %arg6[%swap3A_95] {strides = array<i32>} : memref<128xi32, #tpu.memory_space<vmem>>, vector<16xi32>,
    %swap3A_97 = vector.shape_cast %swap3A_96 : vector<16xi32> to vector<16xi32>
    %swap3A_98 = vector.shape_cast %shift_right_logical3A_94 : vector<16xi32> to vector<16xi32>
    tpu.vector_store %arg6[%swap3A_95], %swap3A_98 {strides = array<i32>} : memref<128xi32, #tpu.memory_space<vmem>>, vector<16xi32>,
    %and3A_99 = arith.constant 65535 : i32
    %and3A_100 = vector.broadcast %and3A_99 : i32 to vector<16xi32>
    %and3A_101 = arith.andi %get3A_91, %and3A_100 : vector<16xi32>
    %swap3A_102 = arith.constant 48 : index
    %swap3A_103 = tpu.vector_load %arg8[%swap3A_102] {strides = array<i32>} : memref<128xi32, #tpu.memory_space<vmem>>, vector<16xi32>,
    %swap3A_104 = vector.shape_cast %swap3A_103 : vector<16xi32> to vector<16xi32>
    %swap3A_105 = vector.shape_cast %and3A_101 : vector<16xi32> to vector<16xi32>
    tpu.vector_store %arg8[%swap3A_102], %swap3A_105 {strides = array<i32>} : memref<128xi32, #tpu.memory_space<vmem>>, vector<16xi32>,
    %get3A_106 = arith.constant 0 : i32
    %get3A_107 = arith.index_cast %get3A_106 : i32 to index
    %get3A_108 = arith.constant 64 : index
    %get3A_109 = tpu.vector_load %arg5[%get3A_107, %get3A_108] {strides = array<i32>} : memref<80x128xi32, #tpu.memory_space<vmem>>, vector<1x16xi32>,
    %get3A_110 = vector.shape_cast %get3A_109 : vector<1x16xi32> to vector<16xi32>
    %shift_right_logical3A_111 = arith.constant 16 : i32
    %shift_right_logical3A_112 = vector.broadcast %shift_right_logical3A_111 : i32 to vector<16xi32>
    %shift_right_logical3A_113 = arith.shrui %get3A_110, %shift_right_logical3A_112 : vector<16xi32>
    %swap3A_114 = arith.constant 64 : index
    %swap3A_115 = tpu.vector_load %arg6[%swap3A_114] {strides = array<i32>} : memref<128xi32, #tpu.memory_space<vmem>>, vector<16xi32>,
    %swap3A_116 = vector.shape_cast %swap3A_115 : vector<16xi32> to vector<16xi32>
    %swap3A_117 = vector.shape_cast %shift_right_logical3A_113 : vector<16xi32> to vector<16xi32>
    tpu.vector_store %arg6[%swap3A_114], %swap3A_117 {strides = array<i32>} : memref<128xi32, #tpu.memory_space<vmem>>, vector<16xi32>,
    %and3A_118 = arith.constant 65535 : i32
    %and3A_119 = vector.broadcast %and3A_118 : i32 to vector<16xi32>
    %and3A_120 = arith.andi %get3A_110, %and3A_119 : vector<16xi32>
    %swap3A_121 = arith.constant 64 : index
    %swap3A_122 = tpu.vector_load %arg8[%swap3A_121] {strides = array<i32>} : memref<128xi32, #tpu.memory_space<vmem>>, vector<16xi32>,
    %swap3A_123 = vector.shape_cast %swap3A_122 : vector<16xi32> to vector<16xi32>
    %swap3A_124 = vector.shape_cast %and3A_120 : vector<16xi32> to vector<16xi32>
    tpu.vector_store %arg8[%swap3A_121], %swap3A_124 {strides = array<i32>} : memref<128xi32, #tpu.memory_space<vmem>>, vector<16xi32>,
    %get3A_125 = arith.constant 0 : i32
    %get3A_126 = arith.index_cast %get3A_125 : i32 to index
    %get3A_127 = arith.constant 80 : index
    %get3A_128 = tpu.vector_load %arg5[%get3A_126, %get3A_127] {strides = array<i32>} : memref<80x128xi32, #tpu.memory_space<vmem>>, vector<1x16xi32>,
    %get3A_129 = vector.shape_cast %get3A_128 : vector<1x16xi32> to vector<16xi32>
    %shift_right_logical3A_130 = arith.constant 16 : i32
    %shift_right_logical3A_131 = vector.broadcast %shift_right_logical3A_130 : i32 to vector<16xi32>
    %shift_right_logical3A_132 = arith.shrui %get3A_129, %shift_right_logical3A_131 : vector<16xi32>
    %swap3A_133 = arith.constant 80 : index
    %swap3A_134 = tpu.vector_load %arg6[%swap3A_133] {strides = array<i32>} : memref<128xi32, #tpu.memory_space<vmem>>, vector<16xi32>,
    %swap3A_135 = vector.shape_cast %swap3A_134 : vector<16xi32> to vector<16xi32>
    %swap3A_136 = vector.shape_cast %shift_right_logical3A_132 : vector<16xi32> to vector<16xi32>
    tpu.vector_store %arg6[%swap3A_133], %swap3A_136 {strides = array<i32>} : memref<128xi32, #tpu.memory_space<vmem>>, vector<16xi32>,
    %and3A_137 = arith.constant 65535 : i32
    %and3A_138 = vector.broadcast %and3A_137 : i32 to vector<16xi32>
    %and3A_139 = arith.andi %get3A_129, %and3A_138 : vector<16xi32>
    %swap3A_140 = arith.constant 80 : index
    %swap3A_141 = tpu.vector_load %arg8[%swap3A_140] {strides = array<i32>} : memref<128xi32, #tpu.memory_space<vmem>>, vector<16xi32>,
    %swap3A_142 = vector.shape_cast %swap3A_141 : vector<16xi32> to vector<16xi32>
    %swap3A_143 = vector.shape_cast %and3A_139 : vector<16xi32> to vector<16xi32>
    tpu.vector_store %arg8[%swap3A_140], %swap3A_143 {strides = array<i32>} : memref<128xi32, #tpu.memory_space<vmem>>, vector<16xi32>,
    %get3A_144 = arith.constant 0 : i32
    %get3A_145 = arith.index_cast %get3A_144 : i32 to index
    %get3A_146 = arith.constant 96 : index
    %get3A_147 = tpu.vector_load %arg5[%get3A_145, %get3A_146] {strides = array<i32>} : memref<80x128xi32, #tpu.memory_space<vmem>>, vector<1x16xi32>,
    %get3A_148 = vector.shape_cast %get3A_147 : vector<1x16xi32> to vector<16xi32>
    %shift_right_logical3A_149 = arith.constant 16 : i32
    %shift_right_logical3A_150 = vector.broadcast %shift_right_logical3A_149 : i32 to vector<16xi32>
    %shift_right_logical3A_151 = arith.shrui %get3A_148, %shift_right_logical3A_150 : vector<16xi32>
    %swap3A_152 = arith.constant 96 : index
    %swap3A_153 = tpu.vector_load %arg6[%swap3A_152] {strides = array<i32>} : memref<128xi32, #tpu.memory_space<vmem>>, vector<16xi32>,
    %swap3A_154 = vector.shape_cast %swap3A_153 : vector<16xi32> to vector<16xi32>
    %swap3A_155 = vector.shape_cast %shift_right_logical3A_151 : vector<16xi32> to vector<16xi32>
    tpu.vector_store %arg6[%swap3A_152], %swap3A_155 {strides = array<i32>} : memref<128xi32, #tpu.memory_space<vmem>>, vector<16xi32>,
    %and3A_156 = arith.constant 65535 : i32
    %and3A_157 = vector.broadcast %and3A_156 : i32 to vector<16xi32>
    %and3A_158 = arith.andi %get3A_148, %and3A_157 : vector<16xi32>
    %swap3A_159 = arith.constant 96 : index
    %swap3A_160 = tpu.vector_load %arg8[%swap3A_159] {strides = array<i32>} : memref<128xi32, #tpu.memory_space<vmem>>, vector<16xi32>,
    %swap3A_161 = vector.shape_cast %swap3A_160 : vector<16xi32> to vector<16xi32>
    %swap3A_162 = vector.shape_cast %and3A_158 : vector<16xi32> to vector<16xi32>
    tpu.vector_store %arg8[%swap3A_159], %swap3A_162 {strides = array<i32>} : memref<128xi32, #tpu.memory_space<vmem>>, vector<16xi32>,
    %get3A_163 = arith.constant 0 : i32
    %get3A_164 = arith.index_cast %get3A_163 : i32 to index
    %get3A_165 = arith.constant 112 : index
    %get3A_166 = tpu.vector_load %arg5[%get3A_164, %get3A_165] {strides = array<i32>} : memref<80x128xi32, #tpu.memory_space<vmem>>, vector<1x16xi32>,
    %get3A_167 = vector.shape_cast %get3A_166 : vector<1x16xi32> to vector<16xi32>
    %shift_right_logical3A_168 = arith.constant 16 : i32
    %shift_right_logical3A_169 = vector.broadcast %shift_right_logical3A_168 : i32 to vector<16xi32>
    %shift_right_logical3A_170 = arith.shrui %get3A_167, %shift_right_logical3A_169 : vector<16xi32>
    %swap3A_171 = arith.constant 112 : index
    %swap3A_172 = tpu.vector_load %arg6[%swap3A_171] {strides = array<i32>} : memref<128xi32, #tpu.memory_space<vmem>>, vector<16xi32>,
    %swap3A_173 = vector.shape_cast %swap3A_172 : vector<16xi32> to vector<16xi32>
    %swap3A_174 = vector.shape_cast %shift_right_logical3A_170 : vector<16xi32> to vector<16xi32>
    tpu.vector_store %arg6[%swap3A_171], %swap3A_174 {strides = array<i32>} : memref<128xi32, #tpu.memory_space<vmem>>, vector<16xi32>,
    %and3A_175 = arith.constant 65535 : i32
    %and3A_176 = vector.broadcast %and3A_175 : i32 to vector<16xi32>
    %and3A_177 = arith.andi %get3A_167, %and3A_176 : vector<16xi32>
    %swap3A_178 = arith.constant 112 : index
    %swap3A_179 = tpu.vector_load %arg8[%swap3A_178] {strides = array<i32>} : memref<128xi32, #tpu.memory_space<vmem>>, vector<16xi32>,
    %swap3A_180 = vector.shape_cast %swap3A_179 : vector<16xi32> to vector<16xi32>
    %swap3A_181 = vector.shape_cast %and3A_177 : vector<16xi32> to vector<16xi32>
    tpu.vector_store %arg8[%swap3A_178], %swap3A_181 {strides = array<i32>} : memref<128xi32, #tpu.memory_space<vmem>>, vector<16xi32>,
    %dma_start3A = arith.constant 0 : i32
    %dma_start3A_182 = arith.constant 0 : i32
    %dma_start3A_183 = tpu.memref_slice %arg2[%dma_start3A, %dma_start3A_182] : memref<10000x128xf32, #tpu.memory_space<hbm>> -> memref<10000x128xf32, #tpu.memory_space<hbm>>
    tpu.enqueue_indirect_dma source(%dma_start3A_183 : memref<10000x128xf32, #tpu.memory_space<hbm>>) target(%arg10 : memref<128x128xf32, #tpu.memory_space<vmem>>) offsets(%arg6 : memref<128xi32, #tpu.memory_space<vmem>>) semaphore(%arg13 : memref<!tpu.dma_semaphore, #tpu.memory_space<semaphore_mem>>)
    %while3A_184 = arith.constant 0 : i32
    %while3A_185 = arith.constant 40 : i32
    %while3A_186 = arith.constant 0 : i64
    %while3A_187 = arith.subi %while3A_185, %while3A_184 : i32
    %while3A_188 = arith.addi %while3A_184, %while3A_187 : i32
    %while3A_189 = arith.constant 1 : i32
    %while3A_190 = arith.divsi %while3A_187, %while3A_189 : i32
    %while3A_191 = arith.muli %while3A_190, %while3A_189 : i32
    %while3A_192 = arith.addi %while3A_184, %while3A_191 : i32
    %while3A_193 = arith.constant 1 : i32
    %while3A_194 = scf.for %while3A_202 = %while3A_184 to %while3A_192 step %while3A_193 iter_args(%while3A_203 = %while3A_186) -> (i64)  : i32 {
      %mul3A_204 = arith.constant 2 : i32
      %mul3A_205 = arith.muli %while3A_202, %mul3A_204 : i32
      %add3A_206 = arith.constant 1 : i32
      %add3A_207 = arith.addi %mul3A_205, %add3A_206 : i32
      %get3A_208 = arith.index_cast %add3A_207 : i32 to index
      %get3A_209 = arith.constant 0 : index
      %get3A_210 = tpu.vector_load %arg5[%get3A_208, %get3A_209] {strides = array<i32>} : memref<80x128xi32, #tpu.memory_space<vmem>>, vector<1x16xi32>,
      %get3A_211 = vector.shape_cast %get3A_210 : vector<1x16xi32> to vector<16xi32>
      %shift_right_logical3A_212 = arith.constant 16 : i32
      %shift_right_logical3A_213 = vector.broadcast %shift_right_logical3A_212 : i32 to vector<16xi32>
      %shift_right_logical3A_214 = arith.shrui %get3A_211, %shift_right_logical3A_213 : vector<16xi32>
      %swap3A_215 = arith.constant 0 : index
      %swap3A_216 = tpu.vector_load %arg7[%swap3A_215] {strides = array<i32>} : memref<128xi32, #tpu.memory_space<vmem>>, vector<16xi32>,
      %swap3A_217 = vector.shape_cast %swap3A_216 : vector<16xi32> to vector<16xi32>
      %swap3A_218 = vector.shape_cast %shift_right_logical3A_214 : vector<16xi32> to vector<16xi32>
      tpu.vector_store %arg7[%swap3A_215], %swap3A_218 {strides = array<i32>} : memref<128xi32, #tpu.memory_space<vmem>>, vector<16xi32>,
      %and3A_219 = arith.constant 65535 : i32
      %and3A_220 = vector.broadcast %and3A_219 : i32 to vector<16xi32>
      %and3A_221 = arith.andi %get3A_211, %and3A_220 : vector<16xi32>
      %swap3A_222 = arith.constant 0 : index
      %swap3A_223 = tpu.vector_load %arg9[%swap3A_222] {strides = array<i32>} : memref<128xi32, #tpu.memory_space<vmem>>, vector<16xi32>,
      %swap3A_224 = vector.shape_cast %swap3A_223 : vector<16xi32> to vector<16xi32>
      %swap3A_225 = vector.shape_cast %and3A_221 : vector<16xi32> to vector<16xi32>
      tpu.vector_store %arg9[%swap3A_222], %swap3A_225 {strides = array<i32>} : memref<128xi32, #tpu.memory_space<vmem>>, vector<16xi32>,
      %get3A_226 = arith.index_cast %add3A_207 : i32 to index
      %get3A_227 = arith.constant 16 : index
      %get3A_228 = tpu.vector_load %arg5[%get3A_226, %get3A_227] {strides = array<i32>} : memref<80x128xi32, #tpu.memory_space<vmem>>, vector<1x16xi32>,
      %get3A_229 = vector.shape_cast %get3A_228 : vector<1x16xi32> to vector<16xi32>
      %shift_right_logical3A_230 = arith.constant 16 : i32
      %shift_right_logical3A_231 = vector.broadcast %shift_right_logical3A_230 : i32 to vector<16xi32>
      %shift_right_logical3A_232 = arith.shrui %get3A_229, %shift_right_logical3A_231 : vector<16xi32>
      %swap3A_233 = arith.constant 16 : index
      %swap3A_234 = tpu.vector_load %arg7[%swap3A_233] {strides = array<i32>} : memref<128xi32, #tpu.memory_space<vmem>>, vector<16xi32>,
      %swap3A_235 = vector.shape_cast %swap3A_234 : vector<16xi32> to vector<16xi32>
      %swap3A_236 = vector.shape_cast %shift_right_logical3A_232 : vector<16xi32> to vector<16xi32>
      tpu.vector_store %arg7[%swap3A_233], %swap3A_236 {strides = array<i32>} : memref<128xi32, #tpu.memory_space<vmem>>, vector<16xi32>,
      %and3A_237 = arith.constant 65535 : i32
      %and3A_238 = vector.broadcast %and3A_237 : i32 to vector<16xi32>
      %and3A_239 = arith.andi %get3A_229, %and3A_238 : vector<16xi32>
      %swap3A_240 = arith.constant 16 : index
      %swap3A_241 = tpu.vector_load %arg9[%swap3A_240] {strides = array<i32>} : memref<128xi32, #tpu.memory_space<vmem>>, vector<16xi32>,
      %swap3A_242 = vector.shape_cast %swap3A_241 : vector<16xi32> to vector<16xi32>
      %swap3A_243 = vector.shape_cast %and3A_239 : vector<16xi32> to vector<16xi32>
      tpu.vector_store %arg9[%swap3A_240], %swap3A_243 {strides = array<i32>} : memref<128xi32, #tpu.memory_space<vmem>>, vector<16xi32>,
      %get3A_244 = arith.index_cast %add3A_207 : i32 to index
      %get3A_245 = arith.constant 32 : index
      %get3A_246 = tpu.vector_load %arg5[%get3A_244, %get3A_245] {strides = array<i32>} : memref<80x128xi32, #tpu.memory_space<vmem>>, vector<1x16xi32>,
      %get3A_247 = vector.shape_cast %get3A_246 : vector<1x16xi32> to vector<16xi32>
      %shift_right_logical3A_248 = arith.constant 16 : i32
      %shift_right_logical3A_249 = vector.broadcast %shift_right_logical3A_248 : i32 to vector<16xi32>
      %shift_right_logical3A_250 = arith.shrui %get3A_247, %shift_right_logical3A_249 : vector<16xi32>
      %swap3A_251 = arith.constant 32 : index
      %swap3A_252 = tpu.vector_load %arg7[%swap3A_251] {strides = array<i32>} : memref<128xi32, #tpu.memory_space<vmem>>, vector<16xi32>,
      %swap3A_253 = vector.shape_cast %swap3A_252 : vector<16xi32> to vector<16xi32>
      %swap3A_254 = vector.shape_cast %shift_right_logical3A_250 : vector<16xi32> to vector<16xi32>
      tpu.vector_store %arg7[%swap3A_251], %swap3A_254 {strides = array<i32>} : memref<128xi32, #tpu.memory_space<vmem>>, vector<16xi32>,
      %and3A_255 = arith.constant 65535 : i32
      %and3A_256 = vector.broadcast %and3A_255 : i32 to vector<16xi32>
      %and3A_257 = arith.andi %get3A_247, %and3A_256 : vector<16xi32>
      %swap3A_258 = arith.constant 32 : index
      %swap3A_259 = tpu.vector_load %arg9[%swap3A_258] {strides = array<i32>} : memref<128xi32, #tpu.memory_space<vmem>>, vector<16xi32>,
      %swap3A_260 = vector.shape_cast %swap3A_259 : vector<16xi32> to vector<16xi32>
      %swap3A_261 = vector.shape_cast %and3A_257 : vector<16xi32> to vector<16xi32>
      tpu.vector_store %arg9[%swap3A_258], %swap3A_261 {strides = array<i32>} : memref<128xi32, #tpu.memory_space<vmem>>, vector<16xi32>,
      %get3A_262 = arith.index_cast %add3A_207 : i32 to index
      %get3A_263 = arith.constant 48 : index
      %get3A_264 = tpu.vector_load %arg5[%get3A_262, %get3A_263] {strides = array<i32>} : memref<80x128xi32, #tpu.memory_space<vmem>>, vector<1x16xi32>,
      %get3A_265 = vector.shape_cast %get3A_264 : vector<1x16xi32> to vector<16xi32>
      %shift_right_logical3A_266 = arith.constant 16 : i32
      %shift_right_logical3A_267 = vector.broadcast %shift_right_logical3A_266 : i32 to vector<16xi32>
      %shift_right_logical3A_268 = arith.shrui %get3A_265, %shift_right_logical3A_267 : vector<16xi32>
      %swap3A_269 = arith.constant 48 : index
      %swap3A_270 = tpu.vector_load %arg7[%swap3A_269] {strides = array<i32>} : memref<128xi32, #tpu.memory_space<vmem>>, vector<16xi32>,
      %swap3A_271 = vector.shape_cast %swap3A_270 : vector<16xi32> to vector<16xi32>
      %swap3A_272 = vector.shape_cast %shift_right_logical3A_268 : vector<16xi32> to vector<16xi32>
      tpu.vector_store %arg7[%swap3A_269], %swap3A_272 {strides = array<i32>} : memref<128xi32, #tpu.memory_space<vmem>>, vector<16xi32>,
      %and3A_273 = arith.constant 65535 : i32
      %and3A_274 = vector.broadcast %and3A_273 : i32 to vector<16xi32>
      %and3A_275 = arith.andi %get3A_265, %and3A_274 : vector<16xi32>
      %swap3A_276 = arith.constant 48 : index
      %swap3A_277 = tpu.vector_load %arg9[%swap3A_276] {strides = array<i32>} : memref<128xi32, #tpu.memory_space<vmem>>, vector<16xi32>,
      %swap3A_278 = vector.shape_cast %swap3A_277 : vector<16xi32> to vector<16xi32>
      %swap3A_279 = vector.shape_cast %and3A_275 : vector<16xi32> to vector<16xi32>
      tpu.vector_store %arg9[%swap3A_276], %swap3A_279 {strides = array<i32>} : memref<128xi32, #tpu.memory_space<vmem>>, vector<16xi32>,
      %get3A_280 = arith.index_cast %add3A_207 : i32 to index
      %get3A_281 = arith.constant 64 : index
      %get3A_282 = tpu.vector_load %arg5[%get3A_280, %get3A_281] {strides = array<i32>} : memref<80x128xi32, #tpu.memory_space<vmem>>, vector<1x16xi32>,
      %get3A_283 = vector.shape_cast %get3A_282 : vector<1x16xi32> to vector<16xi32>
      %shift_right_logical3A_284 = arith.constant 16 : i32
      %shift_right_logical3A_285 = vector.broadcast %shift_right_logical3A_284 : i32 to vector<16xi32>
      %shift_right_logical3A_286 = arith.shrui %get3A_283, %shift_right_logical3A_285 : vector<16xi32>
      %swap3A_287 = arith.constant 64 : index
      %swap3A_288 = tpu.vector_load %arg7[%swap3A_287] {strides = array<i32>} : memref<128xi32, #tpu.memory_space<vmem>>, vector<16xi32>,
      %swap3A_289 = vector.shape_cast %swap3A_288 : vector<16xi32> to vector<16xi32>
      %swap3A_290 = vector.shape_cast %shift_right_logical3A_286 : vector<16xi32> to vector<16xi32>
      tpu.vector_store %arg7[%swap3A_287], %swap3A_290 {strides = array<i32>} : memref<128xi32, #tpu.memory_space<vmem>>, vector<16xi32>,
      %and3A_291 = arith.constant 65535 : i32
      %and3A_292 = vector.broadcast %and3A_291 : i32 to vector<16xi32>
      %and3A_293 = arith.andi %get3A_283, %and3A_292 : vector<16xi32>
      %swap3A_294 = arith.constant 64 : index
      %swap3A_295 = tpu.vector_load %arg9[%swap3A_294] {strides = array<i32>} : memref<128xi32, #tpu.memory_space<vmem>>, vector<16xi32>,
      %swap3A_296 = vector.shape_cast %swap3A_295 : vector<16xi32> to vector<16xi32>
      %swap3A_297 = vector.shape_cast %and3A_293 : vector<16xi32> to vector<16xi32>
      tpu.vector_store %arg9[%swap3A_294], %swap3A_297 {strides = array<i32>} : memref<128xi32, #tpu.memory_space<vmem>>, vector<16xi32>,
      %get3A_298 = arith.index_cast %add3A_207 : i32 to index
      %get3A_299 = arith.constant 80 : index
      %get3A_300 = tpu.vector_load %arg5[%get3A_298, %get3A_299] {strides = array<i32>} : memref<80x128xi32, #tpu.memory_space<vmem>>, vector<1x16xi32>,
      %get3A_301 = vector.shape_cast %get3A_300 : vector<1x16xi32> to vector<16xi32>
      %shift_right_logical3A_302 = arith.constant 16 : i32
      %shift_right_logical3A_303 = vector.broadcast %shift_right_logical3A_302 : i32 to vector<16xi32>
      %shift_right_logical3A_304 = arith.shrui %get3A_301, %shift_right_logical3A_303 : vector<16xi32>
      %swap3A_305 = arith.constant 80 : index
      %swap3A_306 = tpu.vector_load %arg7[%swap3A_305] {strides = array<i32>} : memref<128xi32, #tpu.memory_space<vmem>>, vector<16xi32>,
      %swap3A_307 = vector.shape_cast %swap3A_306 : vector<16xi32> to vector<16xi32>
      %swap3A_308 = vector.shape_cast %shift_right_logical3A_304 : vector<16xi32> to vector<16xi32>
      tpu.vector_store %arg7[%swap3A_305], %swap3A_308 {strides = array<i32>} : memref<128xi32, #tpu.memory_space<vmem>>, vector<16xi32>,
      %and3A_309 = arith.constant 65535 : i32
      %and3A_310 = vector.broadcast %and3A_309 : i32 to vector<16xi32>
      %and3A_311 = arith.andi %get3A_301, %and3A_310 : vector<16xi32>
      %swap3A_312 = arith.constant 80 : index
      %swap3A_313 = tpu.vector_load %arg9[%swap3A_312] {strides = array<i32>} : memref<128xi32, #tpu.memory_space<vmem>>, vector<16xi32>,
      %swap3A_314 = vector.shape_cast %swap3A_313 : vector<16xi32> to vector<16xi32>
      %swap3A_315 = vector.shape_cast %and3A_311 : vector<16xi32> to vector<16xi32>
      tpu.vector_store %arg9[%swap3A_312], %swap3A_315 {strides = array<i32>} : memref<128xi32, #tpu.memory_space<vmem>>, vector<16xi32>,
      %get3A_316 = arith.index_cast %add3A_207 : i32 to index
      %get3A_317 = arith.constant 96 : index
      %get3A_318 = tpu.vector_load %arg5[%get3A_316, %get3A_317] {strides = array<i32>} : memref<80x128xi32, #tpu.memory_space<vmem>>, vector<1x16xi32>,
      %get3A_319 = vector.shape_cast %get3A_318 : vector<1x16xi32> to vector<16xi32>
      %shift_right_logical3A_320 = arith.constant 16 : i32
      %shift_right_logical3A_321 = vector.broadcast %shift_right_logical3A_320 : i32 to vector<16xi32>
      %shift_right_logical3A_322 = arith.shrui %get3A_319, %shift_right_logical3A_321 : vector<16xi32>
      %swap3A_323 = arith.constant 96 : index
      %swap3A_324 = tpu.vector_load %arg7[%swap3A_323] {strides = array<i32>} : memref<128xi32, #tpu.memory_space<vmem>>, vector<16xi32>,
      %swap3A_325 = vector.shape_cast %swap3A_324 : vector<16xi32> to vector<16xi32>
      %swap3A_326 = vector.shape_cast %shift_right_logical3A_322 : vector<16xi32> to vector<16xi32>
      tpu.vector_store %arg7[%swap3A_323], %swap3A_326 {strides = array<i32>} : memref<128xi32, #tpu.memory_space<vmem>>, vector<16xi32>,
      %and3A_327 = arith.constant 65535 : i32
      %and3A_328 = vector.broadcast %and3A_327 : i32 to vector<16xi32>
      %and3A_329 = arith.andi %get3A_319, %and3A_328 : vector<16xi32>
      %swap3A_330 = arith.constant 96 : index
      %swap3A_331 = tpu.vector_load %arg9[%swap3A_330] {strides = array<i32>} : memref<128xi32, #tpu.memory_space<vmem>>, vector<16xi32>,
      %swap3A_332 = vector.shape_cast %swap3A_331 : vector<16xi32> to vector<16xi32>
      %swap3A_333 = vector.shape_cast %and3A_329 : vector<16xi32> to vector<16xi32>
      tpu.vector_store %arg9[%swap3A_330], %swap3A_333 {strides = array<i32>} : memref<128xi32, #tpu.memory_space<vmem>>, vector<16xi32>,
      %get3A_334 = arith.index_cast %add3A_207 : i32 to index
      %get3A_335 = arith.constant 112 : index
      %get3A_336 = tpu.vector_load %arg5[%get3A_334, %get3A_335] {strides = array<i32>} : memref<80x128xi32, #tpu.memory_space<vmem>>, vector<1x16xi32>,
      %get3A_337 = vector.shape_cast %get3A_336 : vector<1x16xi32> to vector<16xi32>
      %shift_right_logical3A_338 = arith.constant 16 : i32
      %shift_right_logical3A_339 = vector.broadcast %shift_right_logical3A_338 : i32 to vector<16xi32>
      %shift_right_logical3A_340 = arith.shrui %get3A_337, %shift_right_logical3A_339 : vector<16xi32>
      %swap3A_341 = arith.constant 112 : index
      %swap3A_342 = tpu.vector_load %arg7[%swap3A_341] {strides = array<i32>} : memref<128xi32, #tpu.memory_space<vmem>>, vector<16xi32>,
      %swap3A_343 = vector.shape_cast %swap3A_342 : vector<16xi32> to vector<16xi32>
      %swap3A_344 = vector.shape_cast %shift_right_logical3A_340 : vector<16xi32> to vector<16xi32>
      tpu.vector_store %arg7[%swap3A_341], %swap3A_344 {strides = array<i32>} : memref<128xi32, #tpu.memory_space<vmem>>, vector<16xi32>,
      %and3A_345 = arith.constant 65535 : i32
      %and3A_346 = vector.broadcast %and3A_345 : i32 to vector<16xi32>
      %and3A_347 = arith.andi %get3A_337, %and3A_346 : vector<16xi32>
      %swap3A_348 = arith.constant 112 : index
      %swap3A_349 = tpu.vector_load %arg9[%swap3A_348] {strides = array<i32>} : memref<128xi32, #tpu.memory_space<vmem>>, vector<16xi32>,
      %swap3A_350 = vector.shape_cast %swap3A_349 : vector<16xi32> to vector<16xi32>
      %swap3A_351 = vector.shape_cast %and3A_347 : vector<16xi32> to vector<16xi32>
      tpu.vector_store %arg9[%swap3A_348], %swap3A_351 {strides = array<i32>} : memref<128xi32, #tpu.memory_space<vmem>>, vector<16xi32>,
      %dma_start3A_352 = arith.constant 0 : i32
      %dma_start3A_353 = arith.constant 0 : i32
      %dma_start3A_354 = tpu.memref_slice %arg2[%dma_start3A_352, %dma_start3A_353] : memref<10000x128xf32, #tpu.memory_space<hbm>> -> memref<10000x128xf32, #tpu.memory_space<hbm>>
      tpu.enqueue_indirect_dma source(%dma_start3A_354 : memref<10000x128xf32, #tpu.memory_space<hbm>>) target(%arg11 : memref<128x128xf32, #tpu.memory_space<vmem>>) offsets(%arg7 : memref<128xi32, #tpu.memory_space<vmem>>) semaphore(%arg14 : memref<!tpu.dma_semaphore, #tpu.memory_space<semaphore_mem>>)
      %dma_wait3A = arith.constant 0 : i32
      %dma_wait3A_355 = arith.constant 0 : i32
      %dma_wait3A_356 = tpu.memref_slice %arg2[%dma_wait3A, %dma_wait3A_355] : memref<10000x128xf32, #tpu.memory_space<hbm>> -> memref<10000x128xf32, #tpu.memory_space<hbm>>
      tpu.wait_indirect_dma semaphore(%arg13 : memref<!tpu.dma_semaphore, #tpu.memory_space<semaphore_mem>>) src(%dma_wait3A_356 : memref<10000x128xf32, #tpu.memory_space<hbm>>) dst(%arg10 : memref<128x128xf32, #tpu.memory_space<vmem>>)
      "tpu.region"() ({
        %run_scoped3A = tpu.sem_alloc : memref<!tpu.dma_semaphore, #tpu.memory_space<semaphore_mem>>
        %dma_start3A_365 = arith.constant 0 : i32
        %dma_start3A_366 = arith.constant 0 : i32
        %dma_start3A_367 = tpu.memref_slice %arg12[%dma_start3A_365, %dma_start3A_366] : memref<10240x128xf32, #tpu.memory_space<vmem_shared>> -> memref<10240x128xf32, #tpu.memory_space<vmem_shared>>
        tpu.enqueue_indirect_dma source(%arg10 : memref<128x128xf32, #tpu.memory_space<vmem>>) target(%dma_start3A_367 : memref<10240x128xf32, #tpu.memory_space<vmem_shared>>) offsets(%arg8 : memref<128xi32, #tpu.memory_space<vmem>>) semaphore(%run_scoped3A : memref<!tpu.dma_semaphore, #tpu.memory_space<semaphore_mem>>) {add = true}
        %dma_wait3A_368 = arith.constant 0 : i32
        %dma_wait3A_369 = arith.constant 0 : i32
        %dma_wait3A_370 = tpu.memref_slice %arg12[%dma_wait3A_368, %dma_wait3A_369] : memref<10240x128xf32, #tpu.memory_space<vmem_shared>> -> memref<10240x128xf32, #tpu.memory_space<vmem_shared>>
        tpu.wait_indirect_dma semaphore(%run_scoped3A : memref<!tpu.dma_semaphore, #tpu.memory_space<semaphore_mem>>) src(%arg10 : memref<128x128xf32, #tpu.memory_space<vmem>>) dst(%dma_wait3A_370 : memref<10240x128xf32, #tpu.memory_space<vmem_shared>>)
        tpu.yield
      }) : () -> ()
      %add3A_357 = arith.constant 2 : i32
      %add3A_358 = arith.addi %mul3A_205, %add3A_357 : i32
      %lt3A = arith.constant 80 : i32
      %lt3A_359 = arith.cmpi slt, %add3A_358, %lt3A : i32
      %convert_element_type3A = arith.extui %lt3A_359 : i1 to i32
      %cond3A = arith.constant 0 : i32
      %cond3A_360 = arith.cmpi ne, %convert_element_type3A, %cond3A : i32
      scf.if %cond3A_360 {
        %add3A_365 = arith.constant 2 : i32
        %add3A_366 = arith.addi %mul3A_205, %add3A_365 : i32
        %get3A_367 = arith.index_cast %add3A_366 : i32 to index
        %get3A_368 = arith.constant 0 : index
        %get3A_369 = tpu.vector_load %arg5[%get3A_367, %get3A_368] {strides = array<i32>} : memref<80x128xi32, #tpu.memory_space<vmem>>, vector<1x16xi32>,
        %get3A_370 = vector.shape_cast %get3A_369 : vector<1x16xi32> to vector<16xi32>
        %shift_right_logical3A_371 = arith.constant 16 : i32
        %shift_right_logical3A_372 = vector.broadcast %shift_right_logical3A_371 : i32 to vector<16xi32>
        %shift_right_logical3A_373 = arith.shrui %get3A_370, %shift_right_logical3A_372 : vector<16xi32>
        %swap3A_374 = arith.constant 0 : index
        %swap3A_375 = tpu.vector_load %arg6[%swap3A_374] {strides = array<i32>} : memref<128xi32, #tpu.memory_space<vmem>>, vector<16xi32>,
        %swap3A_376 = vector.shape_cast %swap3A_375 : vector<16xi32> to vector<16xi32>
        %swap3A_377 = vector.shape_cast %shift_right_logical3A_373 : vector<16xi32> to vector<16xi32>
        tpu.vector_store %arg6[%swap3A_374], %swap3A_377 {strides = array<i32>} : memref<128xi32, #tpu.memory_space<vmem>>, vector<16xi32>,
        %and3A_378 = arith.constant 65535 : i32
        %and3A_379 = vector.broadcast %and3A_378 : i32 to vector<16xi32>
        %and3A_380 = arith.andi %get3A_370, %and3A_379 : vector<16xi32>
        %swap3A_381 = arith.constant 0 : index
        %swap3A_382 = tpu.vector_load %arg8[%swap3A_381] {strides = array<i32>} : memref<128xi32, #tpu.memory_space<vmem>>, vector<16xi32>,
        %swap3A_383 = vector.shape_cast %swap3A_382 : vector<16xi32> to vector<16xi32>
        %swap3A_384 = vector.shape_cast %and3A_380 : vector<16xi32> to vector<16xi32>
        tpu.vector_store %arg8[%swap3A_381], %swap3A_384 {strides = array<i32>} : memref<128xi32, #tpu.memory_space<vmem>>, vector<16xi32>,
        %get3A_385 = arith.index_cast %add3A_366 : i32 to index
        %get3A_386 = arith.constant 16 : index
        %get3A_387 = tpu.vector_load %arg5[%get3A_385, %get3A_386] {strides = array<i32>} : memref<80x128xi32, #tpu.memory_space<vmem>>, vector<1x16xi32>,
        %get3A_388 = vector.shape_cast %get3A_387 : vector<1x16xi32> to vector<16xi32>
        %shift_right_logical3A_389 = arith.constant 16 : i32
        %shift_right_logical3A_390 = vector.broadcast %shift_right_logical3A_389 : i32 to vector<16xi32>
        %shift_right_logical3A_391 = arith.shrui %get3A_388, %shift_right_logical3A_390 : vector<16xi32>
        %swap3A_392 = arith.constant 16 : index
        %swap3A_393 = tpu.vector_load %arg6[%swap3A_392] {strides = array<i32>} : memref<128xi32, #tpu.memory_space<vmem>>, vector<16xi32>,
        %swap3A_394 = vector.shape_cast %swap3A_393 : vector<16xi32> to vector<16xi32>
        %swap3A_395 = vector.shape_cast %shift_right_logical3A_391 : vector<16xi32> to vector<16xi32>
        tpu.vector_store %arg6[%swap3A_392], %swap3A_395 {strides = array<i32>} : memref<128xi32, #tpu.memory_space<vmem>>, vector<16xi32>,
        %and3A_396 = arith.constant 65535 : i32
        %and3A_397 = vector.broadcast %and3A_396 : i32 to vector<16xi32>
        %and3A_398 = arith.andi %get3A_388, %and3A_397 : vector<16xi32>
        %swap3A_399 = arith.constant 16 : index
        %swap3A_400 = tpu.vector_load %arg8[%swap3A_399] {strides = array<i32>} : memref<128xi32, #tpu.memory_space<vmem>>, vector<16xi32>,
        %swap3A_401 = vector.shape_cast %swap3A_400 : vector<16xi32> to vector<16xi32>
        %swap3A_402 = vector.shape_cast %and3A_398 : vector<16xi32> to vector<16xi32>
        tpu.vector_store %arg8[%swap3A_399], %swap3A_402 {strides = array<i32>} : memref<128xi32, #tpu.memory_space<vmem>>, vector<16xi32>,
        %get3A_403 = arith.index_cast %add3A_366 : i32 to index
        %get3A_404 = arith.constant 32 : index
        %get3A_405 = tpu.vector_load %arg5[%get3A_403, %get3A_404] {strides = array<i32>} : memref<80x128xi32, #tpu.memory_space<vmem>>, vector<1x16xi32>,
        %get3A_406 = vector.shape_cast %get3A_405 : vector<1x16xi32> to vector<16xi32>
        %shift_right_logical3A_407 = arith.constant 16 : i32
        %shift_right_logical3A_408 = vector.broadcast %shift_right_logical3A_407 : i32 to vector<16xi32>
        %shift_right_logical3A_409 = arith.shrui %get3A_406, %shift_right_logical3A_408 : vector<16xi32>
        %swap3A_410 = arith.constant 32 : index
        %swap3A_411 = tpu.vector_load %arg6[%swap3A_410] {strides = array<i32>} : memref<128xi32, #tpu.memory_space<vmem>>, vector<16xi32>,
        %swap3A_412 = vector.shape_cast %swap3A_411 : vector<16xi32> to vector<16xi32>
        %swap3A_413 = vector.shape_cast %shift_right_logical3A_409 : vector<16xi32> to vector<16xi32>
        tpu.vector_store %arg6[%swap3A_410], %swap3A_413 {strides = array<i32>} : memref<128xi32, #tpu.memory_space<vmem>>, vector<16xi32>,
        %and3A_414 = arith.constant 65535 : i32
        %and3A_415 = vector.broadcast %and3A_414 : i32 to vector<16xi32>
        %and3A_416 = arith.andi %get3A_406, %and3A_415 : vector<16xi32>
        %swap3A_417 = arith.constant 32 : index
        %swap3A_418 = tpu.vector_load %arg8[%swap3A_417] {strides = array<i32>} : memref<128xi32, #tpu.memory_space<vmem>>, vector<16xi32>,
        %swap3A_419 = vector.shape_cast %swap3A_418 : vector<16xi32> to vector<16xi32>
        %swap3A_420 = vector.shape_cast %and3A_416 : vector<16xi32> to vector<16xi32>
        tpu.vector_store %arg8[%swap3A_417], %swap3A_420 {strides = array<i32>} : memref<128xi32, #tpu.memory_space<vmem>>, vector<16xi32>,
        %get3A_421 = arith.index_cast %add3A_366 : i32 to index
        %get3A_422 = arith.constant 48 : index
        %get3A_423 = tpu.vector_load %arg5[%get3A_421, %get3A_422] {strides = array<i32>} : memref<80x128xi32, #tpu.memory_space<vmem>>, vector<1x16xi32>,
        %get3A_424 = vector.shape_cast %get3A_423 : vector<1x16xi32> to vector<16xi32>
        %shift_right_logical3A_425 = arith.constant 16 : i32
        %shift_right_logical3A_426 = vector.broadcast %shift_right_logical3A_425 : i32 to vector<16xi32>
        %shift_right_logical3A_427 = arith.shrui %get3A_424, %shift_right_logical3A_426 : vector<16xi32>
        %swap3A_428 = arith.constant 48 : index
        %swap3A_429 = tpu.vector_load %arg6[%swap3A_428] {strides = array<i32>} : memref<128xi32, #tpu.memory_space<vmem>>, vector<16xi32>,
        %swap3A_430 = vector.shape_cast %swap3A_429 : vector<16xi32> to vector<16xi32>
        %swap3A_431 = vector.shape_cast %shift_right_logical3A_427 : vector<16xi32> to vector<16xi32>
        tpu.vector_store %arg6[%swap3A_428], %swap3A_431 {strides = array<i32>} : memref<128xi32, #tpu.memory_space<vmem>>, vector<16xi32>,
        %and3A_432 = arith.constant 65535 : i32
        %and3A_433 = vector.broadcast %and3A_432 : i32 to vector<16xi32>
        %and3A_434 = arith.andi %get3A_424, %and3A_433 : vector<16xi32>
        %swap3A_435 = arith.constant 48 : index
        %swap3A_436 = tpu.vector_load %arg8[%swap3A_435] {strides = array<i32>} : memref<128xi32, #tpu.memory_space<vmem>>, vector<16xi32>,
        %swap3A_437 = vector.shape_cast %swap3A_436 : vector<16xi32> to vector<16xi32>
        %swap3A_438 = vector.shape_cast %and3A_434 : vector<16xi32> to vector<16xi32>
        tpu.vector_store %arg8[%swap3A_435], %swap3A_438 {strides = array<i32>} : memref<128xi32, #tpu.memory_space<vmem>>, vector<16xi32>,
        %get3A_439 = arith.index_cast %add3A_366 : i32 to index
        %get3A_440 = arith.constant 64 : index
        %get3A_441 = tpu.vector_load %arg5[%get3A_439, %get3A_440] {strides = array<i32>} : memref<80x128xi32, #tpu.memory_space<vmem>>, vector<1x16xi32>,
        %get3A_442 = vector.shape_cast %get3A_441 : vector<1x16xi32> to vector<16xi32>
        %shift_right_logical3A_443 = arith.constant 16 : i32
        %shift_right_logical3A_444 = vector.broadcast %shift_right_logical3A_443 : i32 to vector<16xi32>
        %shift_right_logical3A_445 = arith.shrui %get3A_442, %shift_right_logical3A_444 : vector<16xi32>
        %swap3A_446 = arith.constant 64 : index
        %swap3A_447 = tpu.vector_load %arg6[%swap3A_446] {strides = array<i32>} : memref<128xi32, #tpu.memory_space<vmem>>, vector<16xi32>,
        %swap3A_448 = vector.shape_cast %swap3A_447 : vector<16xi32> to vector<16xi32>
        %swap3A_449 = vector.shape_cast %shift_right_logical3A_445 : vector<16xi32> to vector<16xi32>
        tpu.vector_store %arg6[%swap3A_446], %swap3A_449 {strides = array<i32>} : memref<128xi32, #tpu.memory_space<vmem>>, vector<16xi32>,
        %and3A_450 = arith.constant 65535 : i32
        %and3A_451 = vector.broadcast %and3A_450 : i32 to vector<16xi32>
        %and3A_452 = arith.andi %get3A_442, %and3A_451 : vector<16xi32>
        %swap3A_453 = arith.constant 64 : index
        %swap3A_454 = tpu.vector_load %arg8[%swap3A_453] {strides = array<i32>} : memref<128xi32, #tpu.memory_space<vmem>>, vector<16xi32>,
        %swap3A_455 = vector.shape_cast %swap3A_454 : vector<16xi32> to vector<16xi32>
        %swap3A_456 = vector.shape_cast %and3A_452 : vector<16xi32> to vector<16xi32>
        tpu.vector_store %arg8[%swap3A_453], %swap3A_456 {strides = array<i32>} : memref<128xi32, #tpu.memory_space<vmem>>, vector<16xi32>,
        %get3A_457 = arith.index_cast %add3A_366 : i32 to index
        %get3A_458 = arith.constant 80 : index
        %get3A_459 = tpu.vector_load %arg5[%get3A_457, %get3A_458] {strides = array<i32>} : memref<80x128xi32, #tpu.memory_space<vmem>>, vector<1x16xi32>,
        %get3A_460 = vector.shape_cast %get3A_459 : vector<1x16xi32> to vector<16xi32>
        %shift_right_logical3A_461 = arith.constant 16 : i32
        %shift_right_logical3A_462 = vector.broadcast %shift_right_logical3A_461 : i32 to vector<16xi32>
        %shift_right_logical3A_463 = arith.shrui %get3A_460, %shift_right_logical3A_462 : vector<16xi32>
        %swap3A_464 = arith.constant 80 : index
        %swap3A_465 = tpu.vector_load %arg6[%swap3A_464] {strides = array<i32>} : memref<128xi32, #tpu.memory_space<vmem>>, vector<16xi32>,
        %swap3A_466 = vector.shape_cast %swap3A_465 : vector<16xi32> to vector<16xi32>
        %swap3A_467 = vector.shape_cast %shift_right_logical3A_463 : vector<16xi32> to vector<16xi32>
        tpu.vector_store %arg6[%swap3A_464], %swap3A_467 {strides = array<i32>} : memref<128xi32, #tpu.memory_space<vmem>>, vector<16xi32>,
        %and3A_468 = arith.constant 65535 : i32
        %and3A_469 = vector.broadcast %and3A_468 : i32 to vector<16xi32>
        %and3A_470 = arith.andi %get3A_460, %and3A_469 : vector<16xi32>
        %swap3A_471 = arith.constant 80 : index
        %swap3A_472 = tpu.vector_load %arg8[%swap3A_471] {strides = array<i32>} : memref<128xi32, #tpu.memory_space<vmem>>, vector<16xi32>,
        %swap3A_473 = vector.shape_cast %swap3A_472 : vector<16xi32> to vector<16xi32>
        %swap3A_474 = vector.shape_cast %and3A_470 : vector<16xi32> to vector<16xi32>
        tpu.vector_store %arg8[%swap3A_471], %swap3A_474 {strides = array<i32>} : memref<128xi32, #tpu.memory_space<vmem>>, vector<16xi32>,
        %get3A_475 = arith.index_cast %add3A_366 : i32 to index
        %get3A_476 = arith.constant 96 : index
        %get3A_477 = tpu.vector_load %arg5[%get3A_475, %get3A_476] {strides = array<i32>} : memref<80x128xi32, #tpu.memory_space<vmem>>, vector<1x16xi32>,
        %get3A_478 = vector.shape_cast %get3A_477 : vector<1x16xi32> to vector<16xi32>
        %shift_right_logical3A_479 = arith.constant 16 : i32
        %shift_right_logical3A_480 = vector.broadcast %shift_right_logical3A_479 : i32 to vector<16xi32>
        %shift_right_logical3A_481 = arith.shrui %get3A_478, %shift_right_logical3A_480 : vector<16xi32>
        %swap3A_482 = arith.constant 96 : index
        %swap3A_483 = tpu.vector_load %arg6[%swap3A_482] {strides = array<i32>} : memref<128xi32, #tpu.memory_space<vmem>>, vector<16xi32>,
        %swap3A_484 = vector.shape_cast %swap3A_483 : vector<16xi32> to vector<16xi32>
        %swap3A_485 = vector.shape_cast %shift_right_logical3A_481 : vector<16xi32> to vector<16xi32>
        tpu.vector_store %arg6[%swap3A_482], %swap3A_485 {strides = array<i32>} : memref<128xi32, #tpu.memory_space<vmem>>, vector<16xi32>,
        %and3A_486 = arith.constant 65535 : i32
        %and3A_487 = vector.broadcast %and3A_486 : i32 to vector<16xi32>
        %and3A_488 = arith.andi %get3A_478, %and3A_487 : vector<16xi32>
        %swap3A_489 = arith.constant 96 : index
        %swap3A_490 = tpu.vector_load %arg8[%swap3A_489] {strides = array<i32>} : memref<128xi32, #tpu.memory_space<vmem>>, vector<16xi32>,
        %swap3A_491 = vector.shape_cast %swap3A_490 : vector<16xi32> to vector<16xi32>
        %swap3A_492 = vector.shape_cast %and3A_488 : vector<16xi32> to vector<16xi32>
        tpu.vector_store %arg8[%swap3A_489], %swap3A_492 {strides = array<i32>} : memref<128xi32, #tpu.memory_space<vmem>>, vector<16xi32>,
        %get3A_493 = arith.index_cast %add3A_366 : i32 to index
        %get3A_494 = arith.constant 112 : index
        %get3A_495 = tpu.vector_load %arg5[%get3A_493, %get3A_494] {strides = array<i32>} : memref<80x128xi32, #tpu.memory_space<vmem>>, vector<1x16xi32>,
        %get3A_496 = vector.shape_cast %get3A_495 : vector<1x16xi32> to vector<16xi32>
        %shift_right_logical3A_497 = arith.constant 16 : i32
        %shift_right_logical3A_498 = vector.broadcast %shift_right_logical3A_497 : i32 to vector<16xi32>
        %shift_right_logical3A_499 = arith.shrui %get3A_496, %shift_right_logical3A_498 : vector<16xi32>
        %swap3A_500 = arith.constant 112 : index
        %swap3A_501 = tpu.vector_load %arg6[%swap3A_500] {strides = array<i32>} : memref<128xi32, #tpu.memory_space<vmem>>, vector<16xi32>,
        %swap3A_502 = vector.shape_cast %swap3A_501 : vector<16xi32> to vector<16xi32>
        %swap3A_503 = vector.shape_cast %shift_right_logical3A_499 : vector<16xi32> to vector<16xi32>
        tpu.vector_store %arg6[%swap3A_500], %swap3A_503 {strides = array<i32>} : memref<128xi32, #tpu.memory_space<vmem>>, vector<16xi32>,
        %and3A_504 = arith.constant 65535 : i32
        %and3A_505 = vector.broadcast %and3A_504 : i32 to vector<16xi32>
        %and3A_506 = arith.andi %get3A_496, %and3A_505 : vector<16xi32>
        %swap3A_507 = arith.constant 112 : index
        %swap3A_508 = tpu.vector_load %arg8[%swap3A_507] {strides = array<i32>} : memref<128xi32, #tpu.memory_space<vmem>>, vector<16xi32>,
        %swap3A_509 = vector.shape_cast %swap3A_508 : vector<16xi32> to vector<16xi32>
        %swap3A_510 = vector.shape_cast %and3A_506 : vector<16xi32> to vector<16xi32>
        tpu.vector_store %arg8[%swap3A_507], %swap3A_510 {strides = array<i32>} : memref<128xi32, #tpu.memory_space<vmem>>, vector<16xi32>,
        %dma_start3A_511 = arith.constant 0 : i32
        %dma_start3A_512 = arith.constant 0 : i32
        %dma_start3A_513 = tpu.memref_slice %arg2[%dma_start3A_511, %dma_start3A_512] : memref<10000x128xf32, #tpu.memory_space<hbm>> -> memref<10000x128xf32, #tpu.memory_space<hbm>>
        tpu.enqueue_indirect_dma source(%dma_start3A_513 : memref<10000x128xf32, #tpu.memory_space<hbm>>) target(%arg10 : memref<128x128xf32, #tpu.memory_space<vmem>>) offsets(%arg6 : memref<128xi32, #tpu.memory_space<vmem>>) semaphore(%arg13 : memref<!tpu.dma_semaphore, #tpu.memory_space<semaphore_mem>>)
      } else {
      }
      %dma_wait3A_361 = arith.constant 0 : i32
      %dma_wait3A_362 = arith.constant 0 : i32
      %dma_wait3A_363 = tpu.memref_slice %arg2[%dma_wait3A_361, %dma_wait3A_362] : memref<10000x128xf32, #tpu.memory_space<hbm>> -> memref<10000x128xf32, #tpu.memory_space<hbm>>
      tpu.wait_indirect_dma semaphore(%arg14 : memref<!tpu.dma_semaphore, #tpu.memory_space<semaphore_mem>>) src(%dma_wait3A_363 : memref<10000x128xf32, #tpu.memory_space<hbm>>) dst(%arg11 : memref<128x128xf32, #tpu.memory_space<vmem>>)
      "tpu.region"() ({
        %run_scoped3A = tpu.sem_alloc : memref<!tpu.dma_semaphore, #tpu.memory_space<semaphore_mem>>
        %dma_start3A_365 = arith.constant 0 : i32
        %dma_start3A_366 = arith.constant 0 : i32
        %dma_start3A_367 = tpu.memref_slice %arg12[%dma_start3A_365, %dma_start3A_366] : memref<10240x128xf32, #tpu.memory_space<vmem_shared>> -> memref<10240x128xf32, #tpu.memory_space<vmem_shared>>
        tpu.enqueue_indirect_dma source(%arg11 : memref<128x128xf32, #tpu.memory_space<vmem>>) target(%dma_start3A_367 : memref<10240x128xf32, #tpu.memory_space<vmem_shared>>) offsets(%arg9 : memref<128xi32, #tpu.memory_space<vmem>>) semaphore(%run_scoped3A : memref<!tpu.dma_semaphore, #tpu.memory_space<semaphore_mem>>) {add = true}
        %dma_wait3A_368 = arith.constant 0 : i32
        %dma_wait3A_369 = arith.constant 0 : i32
        %dma_wait3A_370 = tpu.memref_slice %arg12[%dma_wait3A_368, %dma_wait3A_369] : memref<10240x128xf32, #tpu.memory_space<vmem_shared>> -> memref<10240x128xf32, #tpu.memory_space<vmem_shared>>
        tpu.wait_indirect_dma semaphore(%run_scoped3A : memref<!tpu.dma_semaphore, #tpu.memory_space<semaphore_mem>>) src(%arg11 : memref<128x128xf32, #tpu.memory_space<vmem>>) dst(%dma_wait3A_370 : memref<10240x128xf32, #tpu.memory_space<vmem_shared>>)
        tpu.yield
      }) : () -> ()
      %while3A_364 = arith.constant 0 : i64
      scf.yield %while3A_364 : i64
    }
    %while3A_195 = arith.constant 1 : i32
    %while3A_196 = scf.for %while3A_202 = %while3A_192 to %while3A_188 step %while3A_195 iter_args(%while3A_203 = %while3A_194) -> (i64)  : i32 {
      %mul3A_204 = arith.constant 2 : i32
      %mul3A_205 = arith.muli %while3A_202, %mul3A_204 : i32
      %add3A_206 = arith.constant 1 : i32
      %add3A_207 = arith.addi %mul3A_205, %add3A_206 : i32
      %get3A_208 = arith.index_cast %add3A_207 : i32 to index
      %get3A_209 = arith.constant 0 : index
      %get3A_210 = tpu.vector_load %arg5[%get3A_208, %get3A_209] {strides = array<i32>} : memref<80x128xi32, #tpu.memory_space<vmem>>, vector<1x16xi32>,
      %get3A_211 = vector.shape_cast %get3A_210 : vector<1x16xi32> to vector<16xi32>
      %shift_right_logical3A_212 = arith.constant 16 : i32
      %shift_right_logical3A_213 = vector.broadcast %shift_right_logical3A_212 : i32 to vector<16xi32>
      %shift_right_logical3A_214 = arith.shrui %get3A_211, %shift_right_logical3A_213 : vector<16xi32>
      %swap3A_215 = arith.constant 0 : index
      %swap3A_216 = tpu.vector_load %arg7[%swap3A_215] {strides = array<i32>} : memref<128xi32, #tpu.memory_space<vmem>>, vector<16xi32>,
      %swap3A_217 = vector.shape_cast %swap3A_216 : vector<16xi32> to vector<16xi32>
      %swap3A_218 = vector.shape_cast %shift_right_logical3A_214 : vector<16xi32> to vector<16xi32>
      tpu.vector_store %arg7[%swap3A_215], %swap3A_218 {strides = array<i32>} : memref<128xi32, #tpu.memory_space<vmem>>, vector<16xi32>,
      %and3A_219 = arith.constant 65535 : i32
      %and3A_220 = vector.broadcast %and3A_219 : i32 to vector<16xi32>
      %and3A_221 = arith.andi %get3A_211, %and3A_220 : vector<16xi32>
      %swap3A_222 = arith.constant 0 : index
      %swap3A_223 = tpu.vector_load %arg9[%swap3A_222] {strides = array<i32>} : memref<128xi32, #tpu.memory_space<vmem>>, vector<16xi32>,
      %swap3A_224 = vector.shape_cast %swap3A_223 : vector<16xi32> to vector<16xi32>
      %swap3A_225 = vector.shape_cast %and3A_221 : vector<16xi32> to vector<16xi32>
      tpu.vector_store %arg9[%swap3A_222], %swap3A_225 {strides = array<i32>} : memref<128xi32, #tpu.memory_space<vmem>>, vector<16xi32>,
      %get3A_226 = arith.index_cast %add3A_207 : i32 to index
      %get3A_227 = arith.constant 16 : index
      %get3A_228 = tpu.vector_load %arg5[%get3A_226, %get3A_227] {strides = array<i32>} : memref<80x128xi32, #tpu.memory_space<vmem>>, vector<1x16xi32>,
      %get3A_229 = vector.shape_cast %get3A_228 : vector<1x16xi32> to vector<16xi32>
      %shift_right_logical3A_230 = arith.constant 16 : i32
      %shift_right_logical3A_231 = vector.broadcast %shift_right_logical3A_230 : i32 to vector<16xi32>
      %shift_right_logical3A_232 = arith.shrui %get3A_229, %shift_right_logical3A_231 : vector<16xi32>
      %swap3A_233 = arith.constant 16 : index
      %swap3A_234 = tpu.vector_load %arg7[%swap3A_233] {strides = array<i32>} : memref<128xi32, #tpu.memory_space<vmem>>, vector<16xi32>,
      %swap3A_235 = vector.shape_cast %swap3A_234 : vector<16xi32> to vector<16xi32>
      %swap3A_236 = vector.shape_cast %shift_right_logical3A_232 : vector<16xi32> to vector<16xi32>
      tpu.vector_store %arg7[%swap3A_233], %swap3A_236 {strides = array<i32>} : memref<128xi32, #tpu.memory_space<vmem>>, vector<16xi32>,
      %and3A_237 = arith.constant 65535 : i32
      %and3A_238 = vector.broadcast %and3A_237 : i32 to vector<16xi32>
      %and3A_239 = arith.andi %get3A_229, %and3A_238 : vector<16xi32>
      %swap3A_240 = arith.constant 16 : index
      %swap3A_241 = tpu.vector_load %arg9[%swap3A_240] {strides = array<i32>} : memref<128xi32, #tpu.memory_space<vmem>>, vector<16xi32>,
      %swap3A_242 = vector.shape_cast %swap3A_241 : vector<16xi32> to vector<16xi32>
      %swap3A_243 = vector.shape_cast %and3A_239 : vector<16xi32> to vector<16xi32>
      tpu.vector_store %arg9[%swap3A_240], %swap3A_243 {strides = array<i32>} : memref<128xi32, #tpu.memory_space<vmem>>, vector<16xi32>,
      %get3A_244 = arith.index_cast %add3A_207 : i32 to index
      %get3A_245 = arith.constant 32 : index
      %get3A_246 = tpu.vector_load %arg5[%get3A_244, %get3A_245] {strides = array<i32>} : memref<80x128xi32, #tpu.memory_space<vmem>>, vector<1x16xi32>,
      %get3A_247 = vector.shape_cast %get3A_246 : vector<1x16xi32> to vector<16xi32>
      %shift_right_logical3A_248 = arith.constant 16 : i32
      %shift_right_logical3A_249 = vector.broadcast %shift_right_logical3A_248 : i32 to vector<16xi32>
      %shift_right_logical3A_250 = arith.shrui %get3A_247, %shift_right_logical3A_249 : vector<16xi32>
      %swap3A_251 = arith.constant 32 : index
      %swap3A_252 = tpu.vector_load %arg7[%swap3A_251] {strides = array<i32>} : memref<128xi32, #tpu.memory_space<vmem>>, vector<16xi32>,
      %swap3A_253 = vector.shape_cast %swap3A_252 : vector<16xi32> to vector<16xi32>
      %swap3A_254 = vector.shape_cast %shift_right_logical3A_250 : vector<16xi32> to vector<16xi32>
      tpu.vector_store %arg7[%swap3A_251], %swap3A_254 {strides = array<i32>} : memref<128xi32, #tpu.memory_space<vmem>>, vector<16xi32>,
      %and3A_255 = arith.constant 65535 : i32
      %and3A_256 = vector.broadcast %and3A_255 : i32 to vector<16xi32>
      %and3A_257 = arith.andi %get3A_247, %and3A_256 : vector<16xi32>
      %swap3A_258 = arith.constant 32 : index
      %swap3A_259 = tpu.vector_load %arg9[%swap3A_258] {strides = array<i32>} : memref<128xi32, #tpu.memory_space<vmem>>, vector<16xi32>,
      %swap3A_260 = vector.shape_cast %swap3A_259 : vector<16xi32> to vector<16xi32>
      %swap3A_261 = vector.shape_cast %and3A_257 : vector<16xi32> to vector<16xi32>
      tpu.vector_store %arg9[%swap3A_258], %swap3A_261 {strides = array<i32>} : memref<128xi32, #tpu.memory_space<vmem>>, vector<16xi32>,
      %get3A_262 = arith.index_cast %add3A_207 : i32 to index
      %get3A_263 = arith.constant 48 : index
      %get3A_264 = tpu.vector_load %arg5[%get3A_262, %get3A_263] {strides = array<i32>} : memref<80x128xi32, #tpu.memory_space<vmem>>, vector<1x16xi32>,
      %get3A_265 = vector.shape_cast %get3A_264 : vector<1x16xi32> to vector<16xi32>
      %shift_right_logical3A_266 = arith.constant 16 : i32
      %shift_right_logical3A_267 = vector.broadcast %shift_right_logical3A_266 : i32 to vector<16xi32>
      %shift_right_logical3A_268 = arith.shrui %get3A_265, %shift_right_logical3A_267 : vector<16xi32>
      %swap3A_269 = arith.constant 48 : index
      %swap3A_270 = tpu.vector_load %arg7[%swap3A_269] {strides = array<i32>} : memref<128xi32, #tpu.memory_space<vmem>>, vector<16xi32>,
      %swap3A_271 = vector.shape_cast %swap3A_270 : vector<16xi32> to vector<16xi32>
      %swap3A_272 = vector.shape_cast %shift_right_logical3A_268 : vector<16xi32> to vector<16xi32>
      tpu.vector_store %arg7[%swap3A_269], %swap3A_272 {strides = array<i32>} : memref<128xi32, #tpu.memory_space<vmem>>, vector<16xi32>,
      %and3A_273 = arith.constant 65535 : i32
      %and3A_274 = vector.broadcast %and3A_273 : i32 to vector<16xi32>
      %and3A_275 = arith.andi %get3A_265, %and3A_274 : vector<16xi32>
      %swap3A_276 = arith.constant 48 : index
      %swap3A_277 = tpu.vector_load %arg9[%swap3A_276] {strides = array<i32>} : memref<128xi32, #tpu.memory_space<vmem>>, vector<16xi32>,
      %swap3A_278 = vector.shape_cast %swap3A_277 : vector<16xi32> to vector<16xi32>
      %swap3A_279 = vector.shape_cast %and3A_275 : vector<16xi32> to vector<16xi32>
      tpu.vector_store %arg9[%swap3A_276], %swap3A_279 {strides = array<i32>} : memref<128xi32, #tpu.memory_space<vmem>>, vector<16xi32>,
      %get3A_280 = arith.index_cast %add3A_207 : i32 to index
      %get3A_281 = arith.constant 64 : index
      %get3A_282 = tpu.vector_load %arg5[%get3A_280, %get3A_281] {strides = array<i32>} : memref<80x128xi32, #tpu.memory_space<vmem>>, vector<1x16xi32>,
      %get3A_283 = vector.shape_cast %get3A_282 : vector<1x16xi32> to vector<16xi32>
      %shift_right_logical3A_284 = arith.constant 16 : i32
      %shift_right_logical3A_285 = vector.broadcast %shift_right_logical3A_284 : i32 to vector<16xi32>
      %shift_right_logical3A_286 = arith.shrui %get3A_283, %shift_right_logical3A_285 : vector<16xi32>
      %swap3A_287 = arith.constant 64 : index
      %swap3A_288 = tpu.vector_load %arg7[%swap3A_287] {strides = array<i32>} : memref<128xi32, #tpu.memory_space<vmem>>, vector<16xi32>,
      %swap3A_289 = vector.shape_cast %swap3A_288 : vector<16xi32> to vector<16xi32>
      %swap3A_290 = vector.shape_cast %shift_right_logical3A_286 : vector<16xi32> to vector<16xi32>
      tpu.vector_store %arg7[%swap3A_287], %swap3A_290 {strides = array<i32>} : memref<128xi32, #tpu.memory_space<vmem>>, vector<16xi32>,
      %and3A_291 = arith.constant 65535 : i32
      %and3A_292 = vector.broadcast %and3A_291 : i32 to vector<16xi32>
      %and3A_293 = arith.andi %get3A_283, %and3A_292 : vector<16xi32>
      %swap3A_294 = arith.constant 64 : index
      %swap3A_295 = tpu.vector_load %arg9[%swap3A_294] {strides = array<i32>} : memref<128xi32, #tpu.memory_space<vmem>>, vector<16xi32>,
      %swap3A_296 = vector.shape_cast %swap3A_295 : vector<16xi32> to vector<16xi32>
      %swap3A_297 = vector.shape_cast %and3A_293 : vector<16xi32> to vector<16xi32>
      tpu.vector_store %arg9[%swap3A_294], %swap3A_297 {strides = array<i32>} : memref<128xi32, #tpu.memory_space<vmem>>, vector<16xi32>,
      %get3A_298 = arith.index_cast %add3A_207 : i32 to index
      %get3A_299 = arith.constant 80 : index
      %get3A_300 = tpu.vector_load %arg5[%get3A_298, %get3A_299] {strides = array<i32>} : memref<80x128xi32, #tpu.memory_space<vmem>>, vector<1x16xi32>,
      %get3A_301 = vector.shape_cast %get3A_300 : vector<1x16xi32> to vector<16xi32>
      %shift_right_logical3A_302 = arith.constant 16 : i32
      %shift_right_logical3A_303 = vector.broadcast %shift_right_logical3A_302 : i32 to vector<16xi32>
      %shift_right_logical3A_304 = arith.shrui %get3A_301, %shift_right_logical3A_303 : vector<16xi32>
      %swap3A_305 = arith.constant 80 : index
      %swap3A_306 = tpu.vector_load %arg7[%swap3A_305] {strides = array<i32>} : memref<128xi32, #tpu.memory_space<vmem>>, vector<16xi32>,
      %swap3A_307 = vector.shape_cast %swap3A_306 : vector<16xi32> to vector<16xi32>
      %swap3A_308 = vector.shape_cast %shift_right_logical3A_304 : vector<16xi32> to vector<16xi32>
      tpu.vector_store %arg7[%swap3A_305], %swap3A_308 {strides = array<i32>} : memref<128xi32, #tpu.memory_space<vmem>>, vector<16xi32>,
      %and3A_309 = arith.constant 65535 : i32
      %and3A_310 = vector.broadcast %and3A_309 : i32 to vector<16xi32>
      %and3A_311 = arith.andi %get3A_301, %and3A_310 : vector<16xi32>
      %swap3A_312 = arith.constant 80 : index
      %swap3A_313 = tpu.vector_load %arg9[%swap3A_312] {strides = array<i32>} : memref<128xi32, #tpu.memory_space<vmem>>, vector<16xi32>,
      %swap3A_314 = vector.shape_cast %swap3A_313 : vector<16xi32> to vector<16xi32>
      %swap3A_315 = vector.shape_cast %and3A_311 : vector<16xi32> to vector<16xi32>
      tpu.vector_store %arg9[%swap3A_312], %swap3A_315 {strides = array<i32>} : memref<128xi32, #tpu.memory_space<vmem>>, vector<16xi32>,
      %get3A_316 = arith.index_cast %add3A_207 : i32 to index
      %get3A_317 = arith.constant 96 : index
      %get3A_318 = tpu.vector_load %arg5[%get3A_316, %get3A_317] {strides = array<i32>} : memref<80x128xi32, #tpu.memory_space<vmem>>, vector<1x16xi32>,
      %get3A_319 = vector.shape_cast %get3A_318 : vector<1x16xi32> to vector<16xi32>
      %shift_right_logical3A_320 = arith.constant 16 : i32
      %shift_right_logical3A_321 = vector.broadcast %shift_right_logical3A_320 : i32 to vector<16xi32>
      %shift_right_logical3A_322 = arith.shrui %get3A_319, %shift_right_logical3A_321 : vector<16xi32>
      %swap3A_323 = arith.constant 96 : index
      %swap3A_324 = tpu.vector_load %arg7[%swap3A_323] {strides = array<i32>} : memref<128xi32, #tpu.memory_space<vmem>>, vector<16xi32>,
      %swap3A_325 = vector.shape_cast %swap3A_324 : vector<16xi32> to vector<16xi32>
      %swap3A_326 = vector.shape_cast %shift_right_logical3A_322 : vector<16xi32> to vector<16xi32>
      tpu.vector_store %arg7[%swap3A_323], %swap3A_326 {strides = array<i32>} : memref<128xi32, #tpu.memory_space<vmem>>, vector<16xi32>,
      %and3A_327 = arith.constant 65535 : i32
      %and3A_328 = vector.broadcast %and3A_327 : i32 to vector<16xi32>
      %and3A_329 = arith.andi %get3A_319, %and3A_328 : vector<16xi32>
      %swap3A_330 = arith.constant 96 : index
      %swap3A_331 = tpu.vector_load %arg9[%swap3A_330] {strides = array<i32>} : memref<128xi32, #tpu.memory_space<vmem>>, vector<16xi32>,
      %swap3A_332 = vector.shape_cast %swap3A_331 : vector<16xi32> to vector<16xi32>
      %swap3A_333 = vector.shape_cast %and3A_329 : vector<16xi32> to vector<16xi32>
      tpu.vector_store %arg9[%swap3A_330], %swap3A_333 {strides = array<i32>} : memref<128xi32, #tpu.memory_space<vmem>>, vector<16xi32>,
      %get3A_334 = arith.index_cast %add3A_207 : i32 to index
      %get3A_335 = arith.constant 112 : index
      %get3A_336 = tpu.vector_load %arg5[%get3A_334, %get3A_335] {strides = array<i32>} : memref<80x128xi32, #tpu.memory_space<vmem>>, vector<1x16xi32>,
      %get3A_337 = vector.shape_cast %get3A_336 : vector<1x16xi32> to vector<16xi32>
      %shift_right_logical3A_338 = arith.constant 16 : i32
      %shift_right_logical3A_339 = vector.broadcast %shift_right_logical3A_338 : i32 to vector<16xi32>
      %shift_right_logical3A_340 = arith.shrui %get3A_337, %shift_right_logical3A_339 : vector<16xi32>
      %swap3A_341 = arith.constant 112 : index
      %swap3A_342 = tpu.vector_load %arg7[%swap3A_341] {strides = array<i32>} : memref<128xi32, #tpu.memory_space<vmem>>, vector<16xi32>,
      %swap3A_343 = vector.shape_cast %swap3A_342 : vector<16xi32> to vector<16xi32>
      %swap3A_344 = vector.shape_cast %shift_right_logical3A_340 : vector<16xi32> to vector<16xi32>
      tpu.vector_store %arg7[%swap3A_341], %swap3A_344 {strides = array<i32>} : memref<128xi32, #tpu.memory_space<vmem>>, vector<16xi32>,
      %and3A_345 = arith.constant 65535 : i32
      %and3A_346 = vector.broadcast %and3A_345 : i32 to vector<16xi32>
      %and3A_347 = arith.andi %get3A_337, %and3A_346 : vector<16xi32>
      %swap3A_348 = arith.constant 112 : index
      %swap3A_349 = tpu.vector_load %arg9[%swap3A_348] {strides = array<i32>} : memref<128xi32, #tpu.memory_space<vmem>>, vector<16xi32>,
      %swap3A_350 = vector.shape_cast %swap3A_349 : vector<16xi32> to vector<16xi32>
      %swap3A_351 = vector.shape_cast %and3A_347 : vector<16xi32> to vector<16xi32>
      tpu.vector_store %arg9[%swap3A_348], %swap3A_351 {strides = array<i32>} : memref<128xi32, #tpu.memory_space<vmem>>, vector<16xi32>,
      %dma_start3A_352 = arith.constant 0 : i32
      %dma_start3A_353 = arith.constant 0 : i32
      %dma_start3A_354 = tpu.memref_slice %arg2[%dma_start3A_352, %dma_start3A_353] : memref<10000x128xf32, #tpu.memory_space<hbm>> -> memref<10000x128xf32, #tpu.memory_space<hbm>>
      tpu.enqueue_indirect_dma source(%dma_start3A_354 : memref<10000x128xf32, #tpu.memory_space<hbm>>) target(%arg11 : memref<128x128xf32, #tpu.memory_space<vmem>>) offsets(%arg7 : memref<128xi32, #tpu.memory_space<vmem>>) semaphore(%arg14 : memref<!tpu.dma_semaphore, #tpu.memory_space<semaphore_mem>>)
      %dma_wait3A = arith.constant 0 : i32
      %dma_wait3A_355 = arith.constant 0 : i32
      %dma_wait3A_356 = tpu.memref_slice %arg2[%dma_wait3A, %dma_wait3A_355] : memref<10000x128xf32, #tpu.memory_space<hbm>> -> memref<10000x128xf32, #tpu.memory_space<hbm>>
      tpu.wait_indirect_dma semaphore(%arg13 : memref<!tpu.dma_semaphore, #tpu.memory_space<semaphore_mem>>) src(%dma_wait3A_356 : memref<10000x128xf32, #tpu.memory_space<hbm>>) dst(%arg10 : memref<128x128xf32, #tpu.memory_space<vmem>>)
      "tpu.region"() ({
        %run_scoped3A = tpu.sem_alloc : memref<!tpu.dma_semaphore, #tpu.memory_space<semaphore_mem>>
        %dma_start3A_365 = arith.constant 0 : i32
        %dma_start3A_366 = arith.constant 0 : i32
        %dma_start3A_367 = tpu.memref_slice %arg12[%dma_start3A_365, %dma_start3A_366] : memref<10240x128xf32, #tpu.memory_space<vmem_shared>> -> memref<10240x128xf32, #tpu.memory_space<vmem_shared>>
        tpu.enqueue_indirect_dma source(%arg10 : memref<128x128xf32, #tpu.memory_space<vmem>>) target(%dma_start3A_367 : memref<10240x128xf32, #tpu.memory_space<vmem_shared>>) offsets(%arg8 : memref<128xi32, #tpu.memory_space<vmem>>) semaphore(%run_scoped3A : memref<!tpu.dma_semaphore, #tpu.memory_space<semaphore_mem>>) {add = true}
        %dma_wait3A_368 = arith.constant 0 : i32
        %dma_wait3A_369 = arith.constant 0 : i32
        %dma_wait3A_370 = tpu.memref_slice %arg12[%dma_wait3A_368, %dma_wait3A_369] : memref<10240x128xf32, #tpu.memory_space<vmem_shared>> -> memref<10240x128xf32, #tpu.memory_space<vmem_shared>>
        tpu.wait_indirect_dma semaphore(%run_scoped3A : memref<!tpu.dma_semaphore, #tpu.memory_space<semaphore_mem>>) src(%arg10 : memref<128x128xf32, #tpu.memory_space<vmem>>) dst(%dma_wait3A_370 : memref<10240x128xf32, #tpu.memory_space<vmem_shared>>)
        tpu.yield
      }) : () -> ()
      %add3A_357 = arith.constant 2 : i32
      %add3A_358 = arith.addi %mul3A_205, %add3A_357 : i32
      %lt3A = arith.constant 80 : i32
      %lt3A_359 = arith.cmpi slt, %add3A_358, %lt3A : i32
      %convert_element_type3A = arith.extui %lt3A_359 : i1 to i32
      %cond3A = arith.constant 0 : i32
      %cond3A_360 = arith.cmpi ne, %convert_element_type3A, %cond3A : i32
      scf.if %cond3A_360 {
        %add3A_365 = arith.constant 2 : i32
        %add3A_366 = arith.addi %mul3A_205, %add3A_365 : i32
        %get3A_367 = arith.index_cast %add3A_366 : i32 to index
        %get3A_368 = arith.constant 0 : index
        %get3A_369 = tpu.vector_load %arg5[%get3A_367, %get3A_368] {strides = array<i32>} : memref<80x128xi32, #tpu.memory_space<vmem>>, vector<1x16xi32>,
        %get3A_370 = vector.shape_cast %get3A_369 : vector<1x16xi32> to vector<16xi32>
        %shift_right_logical3A_371 = arith.constant 16 : i32
        %shift_right_logical3A_372 = vector.broadcast %shift_right_logical3A_371 : i32 to vector<16xi32>
        %shift_right_logical3A_373 = arith.shrui %get3A_370, %shift_right_logical3A_372 : vector<16xi32>
        %swap3A_374 = arith.constant 0 : index
        %swap3A_375 = tpu.vector_load %arg6[%swap3A_374] {strides = array<i32>} : memref<128xi32, #tpu.memory_space<vmem>>, vector<16xi32>,
        %swap3A_376 = vector.shape_cast %swap3A_375 : vector<16xi32> to vector<16xi32>
        %swap3A_377 = vector.shape_cast %shift_right_logical3A_373 : vector<16xi32> to vector<16xi32>
        tpu.vector_store %arg6[%swap3A_374], %swap3A_377 {strides = array<i32>} : memref<128xi32, #tpu.memory_space<vmem>>, vector<16xi32>,
        %and3A_378 = arith.constant 65535 : i32
        %and3A_379 = vector.broadcast %and3A_378 : i32 to vector<16xi32>
        %and3A_380 = arith.andi %get3A_370, %and3A_379 : vector<16xi32>
        %swap3A_381 = arith.constant 0 : index
        %swap3A_382 = tpu.vector_load %arg8[%swap3A_381] {strides = array<i32>} : memref<128xi32, #tpu.memory_space<vmem>>, vector<16xi32>,
        %swap3A_383 = vector.shape_cast %swap3A_382 : vector<16xi32> to vector<16xi32>
        %swap3A_384 = vector.shape_cast %and3A_380 : vector<16xi32> to vector<16xi32>
        tpu.vector_store %arg8[%swap3A_381], %swap3A_384 {strides = array<i32>} : memref<128xi32, #tpu.memory_space<vmem>>, vector<16xi32>,
        %get3A_385 = arith.index_cast %add3A_366 : i32 to index
        %get3A_386 = arith.constant 16 : index
        %get3A_387 = tpu.vector_load %arg5[%get3A_385, %get3A_386] {strides = array<i32>} : memref<80x128xi32, #tpu.memory_space<vmem>>, vector<1x16xi32>,
        %get3A_388 = vector.shape_cast %get3A_387 : vector<1x16xi32> to vector<16xi32>
        %shift_right_logical3A_389 = arith.constant 16 : i32
        %shift_right_logical3A_390 = vector.broadcast %shift_right_logical3A_389 : i32 to vector<16xi32>
        %shift_right_logical3A_391 = arith.shrui %get3A_388, %shift_right_logical3A_390 : vector<16xi32>
        %swap3A_392 = arith.constant 16 : index
        %swap3A_393 = tpu.vector_load %arg6[%swap3A_392] {strides = array<i32>} : memref<128xi32, #tpu.memory_space<vmem>>, vector<16xi32>,
        %swap3A_394 = vector.shape_cast %swap3A_393 : vector<16xi32> to vector<16xi32>
        %swap3A_395 = vector.shape_cast %shift_right_logical3A_391 : vector<16xi32> to vector<16xi32>
        tpu.vector_store %arg6[%swap3A_392], %swap3A_395 {strides = array<i32>} : memref<128xi32, #tpu.memory_space<vmem>>, vector<16xi32>,
        %and3A_396 = arith.constant 65535 : i32
        %and3A_397 = vector.broadcast %and3A_396 : i32 to vector<16xi32>
        %and3A_398 = arith.andi %get3A_388, %and3A_397 : vector<16xi32>
        %swap3A_399 = arith.constant 16 : index
        %swap3A_400 = tpu.vector_load %arg8[%swap3A_399] {strides = array<i32>} : memref<128xi32, #tpu.memory_space<vmem>>, vector<16xi32>,
        %swap3A_401 = vector.shape_cast %swap3A_400 : vector<16xi32> to vector<16xi32>
        %swap3A_402 = vector.shape_cast %and3A_398 : vector<16xi32> to vector<16xi32>
        tpu.vector_store %arg8[%swap3A_399], %swap3A_402 {strides = array<i32>} : memref<128xi32, #tpu.memory_space<vmem>>, vector<16xi32>,
        %get3A_403 = arith.index_cast %add3A_366 : i32 to index
        %get3A_404 = arith.constant 32 : index
        %get3A_405 = tpu.vector_load %arg5[%get3A_403, %get3A_404] {strides = array<i32>} : memref<80x128xi32, #tpu.memory_space<vmem>>, vector<1x16xi32>,
        %get3A_406 = vector.shape_cast %get3A_405 : vector<1x16xi32> to vector<16xi32>
        %shift_right_logical3A_407 = arith.constant 16 : i32
        %shift_right_logical3A_408 = vector.broadcast %shift_right_logical3A_407 : i32 to vector<16xi32>
        %shift_right_logical3A_409 = arith.shrui %get3A_406, %shift_right_logical3A_408 : vector<16xi32>
        %swap3A_410 = arith.constant 32 : index
        %swap3A_411 = tpu.vector_load %arg6[%swap3A_410] {strides = array<i32>} : memref<128xi32, #tpu.memory_space<vmem>>, vector<16xi32>,
        %swap3A_412 = vector.shape_cast %swap3A_411 : vector<16xi32> to vector<16xi32>
        %swap3A_413 = vector.shape_cast %shift_right_logical3A_409 : vector<16xi32> to vector<16xi32>
        tpu.vector_store %arg6[%swap3A_410], %swap3A_413 {strides = array<i32>} : memref<128xi32, #tpu.memory_space<vmem>>, vector<16xi32>,
        %and3A_414 = arith.constant 65535 : i32
        %and3A_415 = vector.broadcast %and3A_414 : i32 to vector<16xi32>
        %and3A_416 = arith.andi %get3A_406, %and3A_415 : vector<16xi32>
        %swap3A_417 = arith.constant 32 : index
        %swap3A_418 = tpu.vector_load %arg8[%swap3A_417] {strides = array<i32>} : memref<128xi32, #tpu.memory_space<vmem>>, vector<16xi32>,
        %swap3A_419 = vector.shape_cast %swap3A_418 : vector<16xi32> to vector<16xi32>
        %swap3A_420 = vector.shape_cast %and3A_416 : vector<16xi32> to vector<16xi32>
        tpu.vector_store %arg8[%swap3A_417], %swap3A_420 {strides = array<i32>} : memref<128xi32, #tpu.memory_space<vmem>>, vector<16xi32>,
        %get3A_421 = arith.index_cast %add3A_366 : i32 to index
        %get3A_422 = arith.constant 48 : index
        %get3A_423 = tpu.vector_load %arg5[%get3A_421, %get3A_422] {strides = array<i32>} : memref<80x128xi32, #tpu.memory_space<vmem>>, vector<1x16xi32>,
        %get3A_424 = vector.shape_cast %get3A_423 : vector<1x16xi32> to vector<16xi32>
        %shift_right_logical3A_425 = arith.constant 16 : i32
        %shift_right_logical3A_426 = vector.broadcast %shift_right_logical3A_425 : i32 to vector<16xi32>
        %shift_right_logical3A_427 = arith.shrui %get3A_424, %shift_right_logical3A_426 : vector<16xi32>
        %swap3A_428 = arith.constant 48 : index
        %swap3A_429 = tpu.vector_load %arg6[%swap3A_428] {strides = array<i32>} : memref<128xi32, #tpu.memory_space<vmem>>, vector<16xi32>,
        %swap3A_430 = vector.shape_cast %swap3A_429 : vector<16xi32> to vector<16xi32>
        %swap3A_431 = vector.shape_cast %shift_right_logical3A_427 : vector<16xi32> to vector<16xi32>
        tpu.vector_store %arg6[%swap3A_428], %swap3A_431 {strides = array<i32>} : memref<128xi32, #tpu.memory_space<vmem>>, vector<16xi32>,
        %and3A_432 = arith.constant 65535 : i32
        %and3A_433 = vector.broadcast %and3A_432 : i32 to vector<16xi32>
        %and3A_434 = arith.andi %get3A_424, %and3A_433 : vector<16xi32>
        %swap3A_435 = arith.constant 48 : index
        %swap3A_436 = tpu.vector_load %arg8[%swap3A_435] {strides = array<i32>} : memref<128xi32, #tpu.memory_space<vmem>>, vector<16xi32>,
        %swap3A_437 = vector.shape_cast %swap3A_436 : vector<16xi32> to vector<16xi32>
        %swap3A_438 = vector.shape_cast %and3A_434 : vector<16xi32> to vector<16xi32>
        tpu.vector_store %arg8[%swap3A_435], %swap3A_438 {strides = array<i32>} : memref<128xi32, #tpu.memory_space<vmem>>, vector<16xi32>,
        %get3A_439 = arith.index_cast %add3A_366 : i32 to index
        %get3A_440 = arith.constant 64 : index
        %get3A_441 = tpu.vector_load %arg5[%get3A_439, %get3A_440] {strides = array<i32>} : memref<80x128xi32, #tpu.memory_space<vmem>>, vector<1x16xi32>,
        %get3A_442 = vector.shape_cast %get3A_441 : vector<1x16xi32> to vector<16xi32>
        %shift_right_logical3A_443 = arith.constant 16 : i32
        %shift_right_logical3A_444 = vector.broadcast %shift_right_logical3A_443 : i32 to vector<16xi32>
        %shift_right_logical3A_445 = arith.shrui %get3A_442, %shift_right_logical3A_444 : vector<16xi32>
        %swap3A_446 = arith.constant 64 : index
        %swap3A_447 = tpu.vector_load %arg6[%swap3A_446] {strides = array<i32>} : memref<128xi32, #tpu.memory_space<vmem>>, vector<16xi32>,
        %swap3A_448 = vector.shape_cast %swap3A_447 : vector<16xi32> to vector<16xi32>
        %swap3A_449 = vector.shape_cast %shift_right_logical3A_445 : vector<16xi32> to vector<16xi32>
        tpu.vector_store %arg6[%swap3A_446], %swap3A_449 {strides = array<i32>} : memref<128xi32, #tpu.memory_space<vmem>>, vector<16xi32>,
        %and3A_450 = arith.constant 65535 : i32
        %and3A_451 = vector.broadcast %and3A_450 : i32 to vector<16xi32>
        %and3A_452 = arith.andi %get3A_442, %and3A_451 : vector<16xi32>
        %swap3A_453 = arith.constant 64 : index
        %swap3A_454 = tpu.vector_load %arg8[%swap3A_453] {strides = array<i32>} : memref<128xi32, #tpu.memory_space<vmem>>, vector<16xi32>,
        %swap3A_455 = vector.shape_cast %swap3A_454 : vector<16xi32> to vector<16xi32>
        %swap3A_456 = vector.shape_cast %and3A_452 : vector<16xi32> to vector<16xi32>
        tpu.vector_store %arg8[%swap3A_453], %swap3A_456 {strides = array<i32>} : memref<128xi32, #tpu.memory_space<vmem>>, vector<16xi32>,
        %get3A_457 = arith.index_cast %add3A_366 : i32 to index
        %get3A_458 = arith.constant 80 : index
        %get3A_459 = tpu.vector_load %arg5[%get3A_457, %get3A_458] {strides = array<i32>} : memref<80x128xi32, #tpu.memory_space<vmem>>, vector<1x16xi32>,
        %get3A_460 = vector.shape_cast %get3A_459 : vector<1x16xi32> to vector<16xi32>
        %shift_right_logical3A_461 = arith.constant 16 : i32
        %shift_right_logical3A_462 = vector.broadcast %shift_right_logical3A_461 : i32 to vector<16xi32>
        %shift_right_logical3A_463 = arith.shrui %get3A_460, %shift_right_logical3A_462 : vector<16xi32>
        %swap3A_464 = arith.constant 80 : index
        %swap3A_465 = tpu.vector_load %arg6[%swap3A_464] {strides = array<i32>} : memref<128xi32, #tpu.memory_space<vmem>>, vector<16xi32>,
        %swap3A_466 = vector.shape_cast %swap3A_465 : vector<16xi32> to vector<16xi32>
        %swap3A_467 = vector.shape_cast %shift_right_logical3A_463 : vector<16xi32> to vector<16xi32>
        tpu.vector_store %arg6[%swap3A_464], %swap3A_467 {strides = array<i32>} : memref<128xi32, #tpu.memory_space<vmem>>, vector<16xi32>,
        %and3A_468 = arith.constant 65535 : i32
        %and3A_469 = vector.broadcast %and3A_468 : i32 to vector<16xi32>
        %and3A_470 = arith.andi %get3A_460, %and3A_469 : vector<16xi32>
        %swap3A_471 = arith.constant 80 : index
        %swap3A_472 = tpu.vector_load %arg8[%swap3A_471] {strides = array<i32>} : memref<128xi32, #tpu.memory_space<vmem>>, vector<16xi32>,
        %swap3A_473 = vector.shape_cast %swap3A_472 : vector<16xi32> to vector<16xi32>
        %swap3A_474 = vector.shape_cast %and3A_470 : vector<16xi32> to vector<16xi32>
        tpu.vector_store %arg8[%swap3A_471], %swap3A_474 {strides = array<i32>} : memref<128xi32, #tpu.memory_space<vmem>>, vector<16xi32>,
        %get3A_475 = arith.index_cast %add3A_366 : i32 to index
        %get3A_476 = arith.constant 96 : index
        %get3A_477 = tpu.vector_load %arg5[%get3A_475, %get3A_476] {strides = array<i32>} : memref<80x128xi32, #tpu.memory_space<vmem>>, vector<1x16xi32>,
        %get3A_478 = vector.shape_cast %get3A_477 : vector<1x16xi32> to vector<16xi32>
        %shift_right_logical3A_479 = arith.constant 16 : i32
        %shift_right_logical3A_480 = vector.broadcast %shift_right_logical3A_479 : i32 to vector<16xi32>
        %shift_right_logical3A_481 = arith.shrui %get3A_478, %shift_right_logical3A_480 : vector<16xi32>
        %swap3A_482 = arith.constant 96 : index
        %swap3A_483 = tpu.vector_load %arg6[%swap3A_482] {strides = array<i32>} : memref<128xi32, #tpu.memory_space<vmem>>, vector<16xi32>,
        %swap3A_484 = vector.shape_cast %swap3A_483 : vector<16xi32> to vector<16xi32>
        %swap3A_485 = vector.shape_cast %shift_right_logical3A_481 : vector<16xi32> to vector<16xi32>
        tpu.vector_store %arg6[%swap3A_482], %swap3A_485 {strides = array<i32>} : memref<128xi32, #tpu.memory_space<vmem>>, vector<16xi32>,
        %and3A_486 = arith.constant 65535 : i32
        %and3A_487 = vector.broadcast %and3A_486 : i32 to vector<16xi32>
        %and3A_488 = arith.andi %get3A_478, %and3A_487 : vector<16xi32>
        %swap3A_489 = arith.constant 96 : index
        %swap3A_490 = tpu.vector_load %arg8[%swap3A_489] {strides = array<i32>} : memref<128xi32, #tpu.memory_space<vmem>>, vector<16xi32>,
        %swap3A_491 = vector.shape_cast %swap3A_490 : vector<16xi32> to vector<16xi32>
        %swap3A_492 = vector.shape_cast %and3A_488 : vector<16xi32> to vector<16xi32>
        tpu.vector_store %arg8[%swap3A_489], %swap3A_492 {strides = array<i32>} : memref<128xi32, #tpu.memory_space<vmem>>, vector<16xi32>,
        %get3A_493 = arith.index_cast %add3A_366 : i32 to index
        %get3A_494 = arith.constant 112 : index
        %get3A_495 = tpu.vector_load %arg5[%get3A_493, %get3A_494] {strides = array<i32>} : memref<80x128xi32, #tpu.memory_space<vmem>>, vector<1x16xi32>,
        %get3A_496 = vector.shape_cast %get3A_495 : vector<1x16xi32> to vector<16xi32>
        %shift_right_logical3A_497 = arith.constant 16 : i32
        %shift_right_logical3A_498 = vector.broadcast %shift_right_logical3A_497 : i32 to vector<16xi32>
        %shift_right_logical3A_499 = arith.shrui %get3A_496, %shift_right_logical3A_498 : vector<16xi32>
        %swap3A_500 = arith.constant 112 : index
        %swap3A_501 = tpu.vector_load %arg6[%swap3A_500] {strides = array<i32>} : memref<128xi32, #tpu.memory_space<vmem>>, vector<16xi32>,
        %swap3A_502 = vector.shape_cast %swap3A_501 : vector<16xi32> to vector<16xi32>
        %swap3A_503 = vector.shape_cast %shift_right_logical3A_499 : vector<16xi32> to vector<16xi32>
        tpu.vector_store %arg6[%swap3A_500], %swap3A_503 {strides = array<i32>} : memref<128xi32, #tpu.memory_space<vmem>>, vector<16xi32>,
        %and3A_504 = arith.constant 65535 : i32
        %and3A_505 = vector.broadcast %and3A_504 : i32 to vector<16xi32>
        %and3A_506 = arith.andi %get3A_496, %and3A_505 : vector<16xi32>
        %swap3A_507 = arith.constant 112 : index
        %swap3A_508 = tpu.vector_load %arg8[%swap3A_507] {strides = array<i32>} : memref<128xi32, #tpu.memory_space<vmem>>, vector<16xi32>,
        %swap3A_509 = vector.shape_cast %swap3A_508 : vector<16xi32> to vector<16xi32>
        %swap3A_510 = vector.shape_cast %and3A_506 : vector<16xi32> to vector<16xi32>
        tpu.vector_store %arg8[%swap3A_507], %swap3A_510 {strides = array<i32>} : memref<128xi32, #tpu.memory_space<vmem>>, vector<16xi32>,
        %dma_start3A_511 = arith.constant 0 : i32
        %dma_start3A_512 = arith.constant 0 : i32
        %dma_start3A_513 = tpu.memref_slice %arg2[%dma_start3A_511, %dma_start3A_512] : memref<10000x128xf32, #tpu.memory_space<hbm>> -> memref<10000x128xf32, #tpu.memory_space<hbm>>
        tpu.enqueue_indirect_dma source(%dma_start3A_513 : memref<10000x128xf32, #tpu.memory_space<hbm>>) target(%arg10 : memref<128x128xf32, #tpu.memory_space<vmem>>) offsets(%arg6 : memref<128xi32, #tpu.memory_space<vmem>>) semaphore(%arg13 : memref<!tpu.dma_semaphore, #tpu.memory_space<semaphore_mem>>)
      } else {
      }
      %dma_wait3A_361 = arith.constant 0 : i32
      %dma_wait3A_362 = arith.constant 0 : i32
      %dma_wait3A_363 = tpu.memref_slice %arg2[%dma_wait3A_361, %dma_wait3A_362] : memref<10000x128xf32, #tpu.memory_space<hbm>> -> memref<10000x128xf32, #tpu.memory_space<hbm>>
      tpu.wait_indirect_dma semaphore(%arg14 : memref<!tpu.dma_semaphore, #tpu.memory_space<semaphore_mem>>) src(%dma_wait3A_363 : memref<10000x128xf32, #tpu.memory_space<hbm>>) dst(%arg11 : memref<128x128xf32, #tpu.memory_space<vmem>>)
      "tpu.region"() ({
        %run_scoped3A = tpu.sem_alloc : memref<!tpu.dma_semaphore, #tpu.memory_space<semaphore_mem>>
        %dma_start3A_365 = arith.constant 0 : i32
        %dma_start3A_366 = arith.constant 0 : i32
        %dma_start3A_367 = tpu.memref_slice %arg12[%dma_start3A_365, %dma_start3A_366] : memref<10240x128xf32, #tpu.memory_space<vmem_shared>> -> memref<10240x128xf32, #tpu.memory_space<vmem_shared>>
        tpu.enqueue_indirect_dma source(%arg11 : memref<128x128xf32, #tpu.memory_space<vmem>>) target(%dma_start3A_367 : memref<10240x128xf32, #tpu.memory_space<vmem_shared>>) offsets(%arg9 : memref<128xi32, #tpu.memory_space<vmem>>) semaphore(%run_scoped3A : memref<!tpu.dma_semaphore, #tpu.memory_space<semaphore_mem>>) {add = true}
        %dma_wait3A_368 = arith.constant 0 : i32
        %dma_wait3A_369 = arith.constant 0 : i32
        %dma_wait3A_370 = tpu.memref_slice %arg12[%dma_wait3A_368, %dma_wait3A_369] : memref<10240x128xf32, #tpu.memory_space<vmem_shared>> -> memref<10240x128xf32, #tpu.memory_space<vmem_shared>>
        tpu.wait_indirect_dma semaphore(%run_scoped3A : memref<!tpu.dma_semaphore, #tpu.memory_space<semaphore_mem>>) src(%arg11 : memref<128x128xf32, #tpu.memory_space<vmem>>) dst(%dma_wait3A_370 : memref<10240x128xf32, #tpu.memory_space<vmem_shared>>)
        tpu.yield
      }) : () -> ()
      %while3A_364 = arith.constant 0 : i64
      scf.yield %while3A_364 : i64
    }
    %barrier3A_197 = arith.constant 0 : index
    tpu.barrier barrier_id(%barrier3A_197)
    %mul3A_198 = arith.constant 640 : i32
    %mul3A_199 = arith.muli %arg1, %mul3A_198 : i32
    %mul3A_200 = arith.constant 640 : i32
    %mul3A_201 = arith.muli %arg1, %mul3A_200 : i32
    "tpu.region"() ({
      %run_scoped3A = tpu.sem_alloc : memref<!tpu.dma_semaphore, #tpu.memory_space<semaphore_mem>>
      %dma_start3A_202 = arith.constant 0 : i32
      %dma_start3A_203 = tpu.memref_slice %arg4[%arg0, %mul3A_201, %dma_start3A_202] : memref<2x10240x128xf32, #tpu.memory_space<hbm>> -> memref<1x640x128xf32, #tpu.memory_space<hbm>>
      %dma_start3A_204 = tpu.memref_squeeze %dma_start3A_203 : memref<1x640x128xf32, #tpu.memory_space<hbm>> -> memref<640x128xf32, #tpu.memory_space<hbm>>
      %dma_start3A_205 = arith.constant 0 : i32
      %dma_start3A_206 = tpu.memref_slice %arg12[%mul3A_199, %dma_start3A_205] : memref<10240x128xf32, #tpu.memory_space<vmem_shared>> -> memref<640x128xf32, #tpu.memory_space<vmem_shared>>
      tpu.enqueue_dma source(%dma_start3A_206 : memref<640x128xf32, #tpu.memory_space<vmem_shared>>) target(%dma_start3A_204 : memref<640x128xf32, #tpu.memory_space<hbm>>) target_semaphore(%run_scoped3A : memref<!tpu.dma_semaphore, #tpu.memory_space<semaphore_mem>>)
      %dma_wait3A = arith.constant 0 : i32
      %dma_wait3A_207 = tpu.memref_slice %arg4[%arg0, %mul3A_201, %dma_wait3A] : memref<2x10240x128xf32, #tpu.memory_space<hbm>> -> memref<1x640x128xf32, #tpu.memory_space<hbm>>
      %dma_wait3A_208 = tpu.memref_squeeze %dma_wait3A_207 : memref<1x640x128xf32, #tpu.memory_space<hbm>> -> memref<640x128xf32, #tpu.memory_space<hbm>>
      %dma_wait3A_209 = arith.constant 0 : i32
      %dma_wait3A_210 = tpu.memref_slice %arg12[%mul3A_199, %dma_wait3A_209] : memref<10240x128xf32, #tpu.memory_space<vmem_shared>> -> memref<640x128xf32, #tpu.memory_space<vmem_shared>>
      tpu.wait_dma2 semaphore(%run_scoped3A : memref<!tpu.dma_semaphore, #tpu.memory_space<semaphore_mem>>) src(%dma_wait3A_210 : memref<640x128xf32, #tpu.memory_space<vmem_shared>>) dst(%dma_wait3A_208 : memref<640x128xf32, #tpu.memory_space<hbm>>)
      tpu.yield
    }) : () -> ()
    return
  }
}

module attributes {stable_mosaic.version = 14 : i64} {
  func.func @_tc_finish(%arg0: memref<10000x128xf32, #tpu.memory_space<vmem>>, %arg1: memref<2x10240x128xf32, #tpu.memory_space<vmem>>, %arg2: memref<128x128xf32, #tpu.memory_space<vmem>>, %arg3: memref<1x128xf32, #tpu.memory_space<vmem>>, %arg4: memref<1x128xf32, #tpu.memory_space<vmem>>, %arg5: memref<1x128xf32, #tpu.memory_space<vmem>>, %arg6: memref<10000x128xf32, #tpu.memory_space<vmem>>) attributes {dimension_semantics = [], scalar_prefetch = 0 : i64, scratch_operands = 0 : i64, tpu.core_type = #tpu.core_type<tc>} {
    %get3A = arith.constant 0 : index
    %get3A_0 = arith.constant 0 : index
    %get3A_1 = vector.load %arg0[%get3A, %get3A_0] : memref<10000x128xf32, #tpu.memory_space<vmem>>, vector<10000x128xf32>
    %get3A_2 = arith.constant 0 : index
    %get3A_3 = arith.constant 0 : index
    %get3A_4 = arith.constant 0 : index
    %get3A_5 = vector.load %arg1[%get3A_2, %get3A_3, %get3A_4] : memref<2x10240x128xf32, #tpu.memory_space<vmem>>, vector<1x10000x128xf32>
    %get3A_6 = vector.shape_cast %get3A_5 : vector<1x10000x128xf32> to vector<10000x128xf32>
    %add3A = arith.addf %get3A_1, %get3A_6 : vector<10000x128xf32>
    %get3A_7 = arith.constant 1 : index
    %get3A_8 = arith.constant 0 : index
    %get3A_9 = arith.constant 0 : index
    %get3A_10 = vector.load %arg1[%get3A_7, %get3A_8, %get3A_9] : memref<2x10240x128xf32, #tpu.memory_space<vmem>>, vector<1x10000x128xf32>
    %get3A_11 = vector.shape_cast %get3A_10 : vector<1x10000x128xf32> to vector<10000x128xf32>
    %add3A_12 = arith.addf %add3A, %get3A_11 : vector<10000x128xf32>
    %get3A_13 = arith.constant 0 : index
    %get3A_14 = arith.constant 0 : index
    %get3A_15 = vector.load %arg2[%get3A_13, %get3A_14] : memref<128x128xf32, #tpu.memory_space<vmem>>, vector<128x128xf32>
    %dot_general3A = arith.constant dense<0.000000e+00> : vector<10000x128xf32>
    %dot_general3A_16 = tpu.matmul %add3A_12, %get3A_15, %dot_general3A {dimension_numbers = #tpu.dot_dimension_numbers<[1], [1], [0], [0], [0, 0, 1, 0], [], []>, transpose_lhs_hint = false} : vector<10000x128xf32>, vector<128x128xf32>, vector<10000x128xf32> -> vector<10000x128xf32>
    %get3A_17 = arith.constant 0 : index
    %get3A_18 = arith.constant 0 : index
    %get3A_19 = vector.load %arg3[%get3A_17, %get3A_18] : memref<1x128xf32, #tpu.memory_space<vmem>>, vector<1x128xf32>
    %add3A_20 = vector.broadcast %get3A_19 : vector<1x128xf32> to vector<10000x128xf32>
    %add3A_21 = arith.addf %dot_general3A_16, %add3A_20 : vector<10000x128xf32>
    %reduce_sum3A = arith.constant dense<0.000000e+00> : vector<128xf32>
    %reduce_sum3A_22 = vector.multi_reduction <add>, %add3A_21, %reduce_sum3A [0] : vector<10000x128xf32> to vector<128xf32>
    %broadcast_in_dim3A = vector.shape_cast %reduce_sum3A_22 : vector<128xf32> to vector<1x128xf32>
    %div3A = arith.constant 1.000000e+04 : f32
    %div3A_23 = vector.broadcast %div3A : f32 to vector<1x128xf32>
    %div3A_24 = arith.divf %broadcast_in_dim3A, %div3A_23 : vector<1x128xf32>
    %sub3A = vector.broadcast %div3A_24 : vector<1x128xf32> to vector<10000x128xf32>
    %sub3A_25 = arith.subf %add3A_21, %sub3A : vector<10000x128xf32>
    %mul3A = arith.mulf %sub3A_25, %sub3A_25 : vector<10000x128xf32>
    %reduce_sum3A_26 = arith.constant dense<0.000000e+00> : vector<128xf32>
    %reduce_sum3A_27 = vector.multi_reduction <add>, %mul3A, %reduce_sum3A_26 [0] : vector<10000x128xf32> to vector<128xf32>
    %broadcast_in_dim3A_28 = vector.shape_cast %reduce_sum3A_27 : vector<128xf32> to vector<1x128xf32>
    %div3A_29 = arith.constant 1.000000e+04 : f32
    %div3A_30 = vector.broadcast %div3A_29 : f32 to vector<1x128xf32>
    %div3A_31 = arith.divf %broadcast_in_dim3A_28, %div3A_30 : vector<1x128xf32>
    %add3A_32 = arith.constant 9.99999974E-6 : f32
    %add3A_33 = vector.broadcast %add3A_32 : f32 to vector<1x128xf32>
    %add3A_34 = arith.addf %div3A_31, %add3A_33 : vector<1x128xf32>
    %rsqrt3A = math.rsqrt %add3A_34 : vector<1x128xf32>
    %mul3A_35 = vector.broadcast %rsqrt3A : vector<1x128xf32> to vector<10000x128xf32>
    %mul3A_36 = arith.mulf %sub3A_25, %mul3A_35 : vector<10000x128xf32>
    %get3A_37 = arith.constant 0 : index
    %get3A_38 = arith.constant 0 : index
    %get3A_39 = vector.load %arg4[%get3A_37, %get3A_38] : memref<1x128xf32, #tpu.memory_space<vmem>>, vector<1x128xf32>
    %mul3A_40 = vector.broadcast %get3A_39 : vector<1x128xf32> to vector<10000x128xf32>
    %mul3A_41 = arith.mulf %mul3A_36, %mul3A_40 : vector<10000x128xf32>
    %get3A_42 = arith.constant 0 : index
    %get3A_43 = arith.constant 0 : index
    %get3A_44 = vector.load %arg5[%get3A_42, %get3A_43] : memref<1x128xf32, #tpu.memory_space<vmem>>, vector<1x128xf32>
    %add3A_45 = vector.broadcast %get3A_44 : vector<1x128xf32> to vector<10000x128xf32>
    %add3A_46 = arith.addf %mul3A_41, %add3A_45 : vector<10000x128xf32>
    %swap3A = arith.constant 0 : index
    %swap3A_47 = arith.constant 0 : index
    %swap3A_48 = vector.load %arg6[%swap3A, %swap3A_47] : memref<10000x128xf32, #tpu.memory_space<vmem>>, vector<10000x128xf32>
    tpu.vector_store %arg6[%swap3A, %swap3A_47], %add3A_46 {strides = array<i32>} : memref<10000x128xf32, #tpu.memory_space<vmem>>, vector<10000x128xf32>,
    return
  }
}

</mosaic_0001>

<sc_bundles>
// kernel: kernel.4.cloned.1.call-start
scs
__scs_entry_jumppad:
0x0: {  	(pc) =	sbr.rel $0x88, $3  }
0x1: {  	(tag) =	ssettag $0x0;
	lr =	simm.s32 $0x1  }
0x2: {  	[smem:$0x3F9B] =	sst lr;
	_ =	strace $0xD0000000  }
0x3: {  	_ = 	snop  }
0x4: {  	_ = 	snop  }
0x5: {  	_ = 	snop  }
0x6: {  	_ = 	snop  }
0x7: {  	_ = 	snop  }
__scs_overlays_trampoline_lowered:
0x8: {  	[smem:$0x3FAA] =	sst s0  }
0x9: {  	[smem:$0x3FAB] =	sst s1  }
0xa: {  	[smem:$0x3FAC] =	sst s2  }
0xb: {  	[smem:$0x3FAD] =	sst s3  }
0xc: {  	[smem:$0x3FAE] =	sst s4  }
0xd: {  	[smem:$0x3FAF] =	sst s5  }
0xe: {  	[smem:$0x3FB0] =	sst s6  }
0xf: {  	[smem:$0x3FB1] =	sst s7  }
0x10: {  	[smem:$0x3FB2] =	sst s8  }
0x11: {  	[smem:$0x3FB3] =	sst s9;
	s0 =	simm.s32 @!p0 $0x0  }
0x12: {  	s1 =	sld [smem:$0x3F99];
	s0 =	simm.s32 @p0 $0x1  }
0x13: {  	[smem:$0x3FB4] =	sst s0;
	s0 =	simm.s32 @!p1 $0x0  }
0x14: {  	s2 =	sld [smem:$0x3F98];
	s0 =	simm.s32 @p1 $0x1  }
0x15: {  	[smem:$0x3FB5] =	sst s0;
	s0 =	simm.s32 @!p2 $0x0  }
0x16: {  	s3 =	sld [smem:$0x3FDB];
	s0 =	simm.s32 @p2 $0x1  }
0x17: {  	s4 =	simm.s32 $0x1BF5;
	[smem:$0x3FB7] =	sst s0  }
0x18: {  	s0 =	sld [smem:$0x3F9A];
	_ =	swait.ge [sflag:s4], $0x0  }
0x19: {  	s7 =	sld [smem:$0x3F9B]  }
0x1a: {  	s8 =	sadd.s32 $0xFFFFE003, lr  }
0x1b: {  	s9 =	sadd.s32 $0xFFFFFEF7, lr;
	s5 =	simm.s32 $0xFFFFFFFF;
	p2 =	slt.u32 s8, $0xFFFFF086  }
0x1c: {  	p1 =	slt.u32 s9, $0xF7A;
	s5 =	simm.s32 @!p2 $0x0  }
0x1d: {  	s5 =	simm.s32 @p1 $0x1;
	p0 =	seq.s32 s7, s2  }
0x1e: {  	s7 =	smul.u32 @!p0 $0xF7A, s2;
	p2 =	seq.s32 @!p0 s5, $0x0  }
0x1f: {  	s9 =	smul.u32 $0xF7A, s1;
	s8 =	simm.s32 @!p0 $0x1BF5;
	p2 =	por !p2, p0  }
0x20: {  	[sflag:s8] =	ssyncset.s32 @!p0 $0xFFFFF086;
	s6 =	sadd.s32 @!p0 s3, s7;
	s7 =	simm.s32 @!p0 $0x108  }
0x21: {  	s3 =	sadd.s32 s3, s9;
	s6 =	sadd.s32 @!p0 $0x88, s6;
	s7 =	simm.s32 @p2 $0x1082  }
0x22: {  	[simem:s7], [sflag:s8] =	dma.local @!p0 [hbm:s6], $0xF7A  }
0x23: {  	s9 =	sor.u32 $0xD0000000, s2;
	s6 =	simm.s32 $0x108;
	_ =	swait.ge @!p0 [sflag:s8], $0x0  }
0x24: {  	s3 =	sadd.s32 $0x88, s3;
	s6 =	simm.s32 @!p1 $0x1082;
	[sflag:s4] =	ssyncset.s32 $0xFFFFF086  }
0x25: {  	[simem:s6], [sflag:s4] =	dma.local [hbm:s3], $0xF7A  }
0x26: {  	[smem:$0x3F9B] =	sst s1;
	(tag) =	ssettag s2;
	_ =	strace s9  }
0x27: {  	s1 =	sld [smem:$0x3FAB]  }
0x28: {  	s2 =	sld [smem:$0x3FAC]  }
0x29: {  	s4 =	sld [smem:$0x3FAE]  }
0x2a: {  	p0 =	seq.s32 s5, $0x0;
	s5 =	sld [smem:$0x3FAF]  }
0x2b: {  	s6 =	sld [smem:$0x3FB0]  }
0x2c: {  	s7 =	sld [smem:$0x3FB1]  }
0x2d: {  	s3 =	simm.s32 $0x108;
	s8 =	sld [smem:$0x3FB2]  }
0x2e: {  	s3 =	simm.s32 @!p0 $0x1082;
	s9 =	sld [smem:$0x3FB3]  }
0x2f: {  	lr =	sadd.s32 s0, s3;
	s0 =	sld [smem:$0x3FAA]  }
0x30: {  	s3 =	sld [smem:$0x3FAD]  }
0x31: {  	[smem:$0x3FB6] =	sst s10  }
0x32: {  	s10 =	sld [smem:$0x3FB4];
	_ =	sdelay $0x3  }
0x33: {  	p0 =	seq.s32 s10, $0x1;
	s10 =	sld [smem:$0x3FB6];
	_ =	sdelay $0x3  }
0x34: {  	[smem:$0x3FB6] =	sst s10  }
0x35: {  	s10 =	sld [smem:$0x3FB5];
	_ =	sdelay $0x3  }
0x36: {  	p1 =	seq.s32 s10, $0x1;
	s10 =	sld [smem:$0x3FB6];
	_ =	sdelay $0x3  }
0x37: {  	[smem:$0x3FB6] =	sst s10  }
0x38: {  	s10 =	sld [smem:$0x3FB7]  }
0x39: {  	_ = 	snop;
	(pc) =	sbr.ind lr, $3  }
0x3a: {  	_ = 	snop  }
0x3b: {  	_ = 	snop  }
0x3c: {  	p2 =	seq.s32 s10, $0x1;
	s10 =	sld [smem:$0x3FB6]  }
0x3d: {  	_ =	shalt  }
0x3e: {  	_ =	shalt  }
0x3f: {  	_ =	shalt  }
0x40: {  	_ =	shalt  }
0x41: {  	_ =	shalt  }
0x42: {  	_ =	shalt  }
0x43: {  	_ =	shalt  }
0x44: {  	_ =	shalt  }
0x45: {  	_ =	shalt  }
0x46: {  	_ =	shalt  }
0x47: {  	_ =	shalt  }
0x48: {  	_ =	shalt  }
0x49: {  	_ =	shalt  }
0x4a: {  	_ =	shalt  }
0x4b: {  	_ =	shalt  }
0x4c: {  	_ =	shalt  }
0x4d: {  	_ =	shalt  }
0x4e: {  	_ =	shalt  }
0x4f: {  	_ =	shalt  }
0x50: {  	_ =	shalt  }
0x51: {  	_ =	shalt  }
0x52: {  	_ =	shalt  }
0x53: {  	_ =	shalt  }
0x54: {  	_ =	shalt  }
0x55: {  	_ =	shalt  }
0x56: {  	_ =	shalt  }
0x57: {  	_ =	shalt  }
0x58: {  	_ =	shalt  }
0x59: {  	_ =	shalt  }
0x5a: {  	_ =	shalt  }
0x5b: {  	_ =	shalt  }
0x5c: {  	_ =	shalt  }
0x5d: {  	_ =	shalt  }
0x5e: {  	_ =	shalt  }
0x5f: {  	_ =	shalt  }
0x60: {  	_ =	shalt  }
0x61: {  	_ =	shalt  }
0x62: {  	_ =	shalt  }
0x63: {  	_ =	shalt  }
0x64: {  	_ =	shalt  }
0x65: {  	_ =	shalt  }
0x66: {  	_ =	shalt  }
0x67: {  	_ =	shalt  }
0x68: {  	_ =	shalt  }
0x69: {  	_ =	shalt  }
0x6a: {  	_ =	shalt  }
0x6b: {  	_ =	shalt  }
0x6c: {  	_ =	shalt  }
0x6d: {  	_ =	shalt  }
0x6e: {  	_ =	shalt  }
0x6f: {  	_ =	shalt  }
0x70: {  	_ =	shalt  }
0x71: {  	_ =	shalt  }
0x72: {  	_ =	shalt  }
0x73: {  	_ =	shalt  }
0x74: {  	_ =	shalt  }
0x75: {  	_ =	shalt  }
0x76: {  	_ =	shalt  }
0x77: {  	_ =	shalt  }
0x78: {  	_ =	shalt  }
0x79: {  	_ =	shalt  }
0x7a: {  	_ =	shalt  }
0x7b: {  	_ =	shalt  }
0x7c: {  	_ =	shalt  }
0x7d: {  	_ =	shalt  }
0x7e: {  	_ =	shalt  }
0x7f: {  	_ =	shalt  }
0x80: {  	_ =	shalt  }
0x81: {  	_ =	shalt  }
0x82: {  	_ =	shalt  }
0x83: {  	_ =	shalt  }
0x84: {  	_ =	shalt  }
0x85: {  	_ =	shalt  }
0x86: {  	_ =	shalt  }
0x87: {  	_ =	shalt  }
.Lfunc_end0:
.L_simem_size_0:
called_computation_lowered:
.L_overlay_start_0:
0x88: {  	s2 =	sld [smem:$0x3FD9]  }
0x89: {  	s3 =	sld [smem:$0x3FFE];
	_ =	sdelay $0x1  }
0x8a: {  	s1 =	srdreg.scid  }
0x8b: {  	s0 =	sand.u32 $0x1, s1  }
0x8c: {  	s17 =	sshll.u32 s0, $0xA;
	s2 =	sadd.s32 s3, s2  }
0x8d: {  	s2 =	sadd.s32 s2, s17  }
0x8e: {  	[smem:$0x3FC2] =	sst s2  }
0x8f: {  	_ = 	snop  }
0x90: {  	s2 =	sld [smem:$0x3FC9]  }
0x91: {  	s18 =	sld [smem:$0x3FD0];
	(tm) =	ssettm $0x1  }
0x92: {  	s4 =	sld [smem:$0x3FFB];
	_ =	sdelay $0x3  }
0x93: {  	_ =	strace s4  }
0x94: {  	s4 =	sld [smem:$0x3FFC];
	_ =	sdelay $0x3  }
0x95: {  	_ =	strace s4  }
0x96: {  	s4 =	sld [smem:$0x3FFD];
	_ =	sdelay $0x3  }
0x97: {  	_ =	strace s4  }
0x98: {  	_ =	strace $0x8FFFFFFF  }
0x99: {  	s19 =	sld [smem:$0x3FDB];
	_ =	sdelay $0x1  }
0x9a: {  	s5 =	simm.s32 $_scs_section_size  }
0x9b: {  	s6 =	simm.s32 $_size__tile_overlayer_lowered;
	s7 =	simm.s32 $_tile_overlayer_lowered  }
0x9c: {  	s22 =	simm.s32 $0x1BFF;
	s21 =	sshll.u32 s7, $0x1;
	s4 =	sadd.s32 s5, s19  }
0x9d: {  	s8 =	simm.s32 $0x0;
	s20 =	sshll.u32 s6, $0x1;
	s6 =	sadd.s32 s21, s4  }
0x9e: {  	[timem:s8], [sflag:s22] =	dma.local [hbm:s6], s20  }
0x9f: {  	_ =	swait.ge [sflag:s22], s20  }
0xa0: {  	s5 =	ssub.s32 $0x0, s20;
	[sflag:s22] =	ssyncset.done $0x0  }
0xa1: {  	[sflag:s22] =	ssyncadd.s32 s5;
	_ =	sdelay $0x1  }
0xa2: {  	s23 =	simm.s32 $0x1B8B  }
0xa3: {  	_ =	swait.ge [sflag:s23], $0x1  }
0xa4: {  	[sflag:s23] =	ssyncset.done $0x0  }
0xa5: {  	s25 =	simm.s32 $0x1B8E;
	s24 =	sld [smem:$0x3FFE];
	[sflag:s23] =	ssyncadd.s32 $0xFFFFFFFF  }
0xa6: {  	s26 =	simm.s32 $execute0_lowered;
	[smem:$0x3FD2] =	sst s25  }
0xa7: {  	s6 =	sshll.u32 s26, $0x1;
	_ =	strace $0x80000046;
	[dreg:$0x1] =	wrdreg $0xFFFFFFFF  }
0xa8: {  	s28 =	simm.s32 $_size_execute0_lowered;
	s4 =	sadd.s32 s4, s6;
	[dreg:$0x0] =	wrdreg $0x0  }
0xa9: {  	s6 =	sshll.u32 s28, $0x1;
	[dreg:$0x2] =	wrdreg s4  }
0xaa: {  	[dreg:$0x3] =	wrdreg s6  }
0xab: {  	[dreg:$0x4] =	wrdreg $0xC0  }
0xac: {  	_ =	task [dreg:s8], $0x5FFFF  }
0xad: {  	[dreg:$0x1] =	wrdreg $0xFFFFFFFF  }
0xae: {  	[dreg:$0x0] =	wrdreg $0x60  }
0xaf: {  	[dreg:$0x2] =	wrdreg s2  }
0xb0: {  	[dreg:$0x3] =	wrdreg s18  }
0xb1: {  	[dreg:$0x4] =	wrdreg s24  }
0xb2: {  	[dreg:$0x5] =	wrdreg $0xAA000  }
0xb3: {  	[dreg:$0x6] =	wrdreg $0x9  }
0xb4: {  	_ =	task.clear_ibuf [dreg:s8], $0x7FFFF;
	_ =	strace $0x90000046  }
0xb5: {  	s29 =	simm.s32 $0x9;
	_ =	strace $0x80000048  }
0xb6: {  	_ =	swait.ge [sflag:s29], $0x1  }
0xb7: {  	[sflag:s29] =	ssyncadd.s32 $0xFFFFFFFF  }
0xb8: {  	_ =	strace $0x90000048  }
0xb9: {  	_ =	sfence  }
0xba: {  	s30 =	sld [smem:$0x0];
	_ =	sdelay $0x2  }
0xbb: {  	s31 =	sshll.u32 s1, $0xD;
	s1 =	sshrl.u32 s1, $0x2  }
0xbc: {  	s3 =	sand.u32 $0x4000, s31;
	s1 =	sadd.s32 s1, s30  }
0xbd: {  	s0 =	sor.u32 s3, s0;
	s1 =	sshll.u32 s1, $0x11  }
0xbe: {  	s0 =	sor.u32 s1, s0  }
0xbf: {  	s0 =	sadd.s32 $0x8F2B, s0  }
0xc0: {  	[sflag:s0] =	ssyncadd.remote.s32 $0x1  }
0xc1: {  	_ =	sfence.sel $0xFFFF  }
0xc2: {  	[dreg:$0x0] =	wrdreg $0xFFFFFFFF;
	(pc) =	sbr.abs _section_cstart, $3  }
0xc3: {  	[dreg:$0x1] =	wrdreg $0xFFFFFFFF  }
0xc4: {  	_ =	task.clear_ibuf [dreg:s8], $0x2FFFF;
	_ =	strace $0x9FFFFFFF  }
0xc5: {  	(tm) =	ssettm $0x7FFFFFFF  }
tec
execute0_lowered:
.L_overlay_start_1:
0x0: {  	(tag) =	ssettag $0x1  }
0x1: {  	s0 =	rddreg [dreg:$0x0]  }
0x2: {  	s10 =	rddreg [dreg:$0x1]  }
0x3: {  	s5 =	rddreg [dreg:$0x2]  }
0x4: {  	s3 =	rddreg [dreg:$0x3]  }
0x5: {  	s1 =	srdreg.scid;
	s2 =	rddreg [dreg:$0x4];
	s4 =	simm.s32 $0x0  }
0x6: {  	s14 =	simm.s32 $0x3;
	s15 =	simm.s32 $0x80;
	s16 =	simm.s32 $0x2800  }
0x7: {  	s17 =	simm.s32 $0x2880;
	s18 =	simm.s32 $0x6A00;
	s19 =	simm.s32 $0x1  }
0x8: {  	s20 =	simm.s32 $0x2900;
	s21 =	simm.s32 $0x2;
	s6 =	sand.u32 $0x1, s1  }
0x9: {  	s22 =	simm.s32 $0x2980;
	s1 =	stileid.u32;
	s7 =	smul.u32 $0x140000, s6  }
0xa: {  	s23 =	simm.s32 $0x0;
	[smem:$0x7FF] =	sst s4;
	s8 =	smul.u32 $0x14000, s1  }
0xb: {  	_ =	strace $0x80000047;
	s29 =	ssub.s32 $0x2, s6;
	s30 =	sshll.u32 s1, $0x1  }
0xc: {  	s28 =	smul.u32 $0x50000, s1;
	s9 =	sshrl.u32 s29, $0x1;
	s6 =	sor.u32 s6, s30  }
0xd: {  	s7 =	sadd.s32 s8, s7;
	s12 =	ssub.s32 s29, s9;
	s13 =	smul.u32 $0x500, s6  }
0xe: {  	s31 =	sshrl.u32 s28, $0x2;
	s7 =	sshrl.u32 s7, $0x3;
	s12 =	smax.u32 s12, $0x1  }
0xf: {  	s11 =	sadd.s32 s7, s5;
	s5 =	sadd.s32 s31, s3;
	s10 =	sadd.s32 s10, s13  }
0x10: {  	s13 =	simm.s32 $0x2A00;
	s6 =	sadd.s32 $0x4000, s5;
	s7 =	sadd.s32 $0x8000, s5  }
0x11: {  	v0 =	vimm.f32 $0.0e+00;
	s8 =	sadd.s32 $0xC000, s5;
	s9 =	sadd.s32 $0x10000, s5;
	s11 =	sadd.s32 $0x1200, s11  }
.LBB2_1:
0x12: {  	s24 =	sand.u32 $0xFE00, s4  }
0x13: {  	s25 =	sand.u32 $0x70, s4;
	s26 =	sshrl.u32 s24, $0x2  }
0x14: {  	s24 =	simm.s32 $0x40;
	s26 =	sor.u32 s25, s26;
	s25 =	simm.s32 $0x0  }
.LBB2_2:
0x15: {  	p0 =	sne.s32 s24, $0xFFC0  }
0x16: {  	[tilespmem:s26+$0x2A00] =	vst v0;
	s25 =	sadd.s32 $0x10, s25;
	s26 =	smov.u32 s24;
	s24 =	sadd.s32 $0x40, s24  }
.Ltmp0:
0x17: {  	(pc) =	sbr.rel @p0 .LBB2_2-.Ltmp0, $4  }
0x18: {  	_ = 	snop  }
0x19: {  	s26 =	sand.u32 $0xFE00, s26  }
0x1a: {  	s28 =	sand.u32 $0x70, s25;
	s26 =	sshrl.u32 s26, $0x2  }
0x1b: {  	s26 =	sor.u32 s28, s26  }
0x1c: {  	[tilespmem:s26+$0x2A00] =	vst v0  }
0x1d: {  	[spmem:s5] =	stream.linear.scatter [tilespmem:s13], [sflag:$0x3], $0x4000, $0x38;
	[tilespmem:$0x1EA00] =	vst v63  }
0x1e: {  	_ =	swait.ge [sflag:s14], $0x4000  }
0x1f: {  	[sflag:s14] =	ssyncset.done $0x0  }
0x20: {  	[sflag:s14] =	ssyncadd.s32 $0xFFFFC000  }
0x21: {  	[spmem:s6] =	stream.linear.scatter [tilespmem:s13], [sflag:$0x3], $0x4000, $0x38;
	[tilespmem:$0x1EA00] =	vst v63  }
0x22: {  	_ =	swait.ge [sflag:s14], $0x4000  }
0x23: {  	[sflag:s14] =	ssyncset.done $0x0  }
0x24: {  	[sflag:s14] =	ssyncadd.s32 $0xFFFFC000  }
0x25: {  	[spmem:s7] =	stream.linear.scatter [tilespmem:s13], [sflag:$0x3], $0x4000, $0x38;
	[tilespmem:$0x1EA00] =	vst v63  }
0x26: {  	_ =	swait.ge [sflag:s14], $0x4000  }
0x27: {  	[sflag:s14] =	ssyncset.done $0x0  }
0x28: {  	[sflag:s14] =	ssyncadd.s32 $0xFFFFC000  }
0x29: {  	[spmem:s8] =	stream.linear.scatter [tilespmem:s13], [sflag:$0x3], $0x4000, $0x38;
	[tilespmem:$0x1EA00] =	vst v63  }
0x2a: {  	_ =	swait.ge [sflag:s14], $0x4000  }
0x2b: {  	[sflag:s14] =	ssyncset.done $0x0  }
0x2c: {  	[sflag:s14] =	ssyncadd.s32 $0xFFFFC000  }
0x2d: {  	[spmem:s9] =	stream.linear.scatter [tilespmem:s13], [sflag:$0x3], $0x4000, $0x38;
	[tilespmem:$0x1EA00] =	vst v63  }
0x2e: {  	_ =	swait.ge [sflag:s14], $0x4000  }
0x2f: {  	[sflag:s14] =	ssyncset.done $0x0  }
0x30: {  	s24 =	simm.s32 $0x0;
	[sflag:s14] =	ssyncadd.s32 $0xFFFFC000  }
0x31: {  	[tilespmem:s24], [sflag:$0x3] =	stream.linear.gather [hbm4b:s10+s24], $0x2800, $0x38;
	[tilespmem:$0x1EA00] =	vst v63  }
0x32: {  	_ =	swait.ge [sflag:s14], $0x2800  }
0x33: {  	[sflag:s14] =	ssyncset.done $0x0  }
0x34: {  	[sflag:s14] =	ssyncadd.s32 $0xFFFFD800  }
0x35: {  	[bflag:$0x0] =	sbarrier.arrive $0xFFFF  }
0x36: {  	v1 =	vld [tilespmem:$0x0];
	_ =	sdelay $0x1  }
0x37: {  	v2 =	vld [tilespmem:$0x10];
	_ =	sdelay $0x1  }
0x38: {  	v3 =	vld [tilespmem:$0x20]  }
0x39: {  	v4 =	vshrl.u32 v1, $0x10  }
0x3a: {  	v62 =	vld [tilespmem:$0x30];
	v1 =	vand.u32 $0xFFFF, v1;
	[tilespmem:$0x2800] =	vst v4  }
0x3b: {  	[tilespmem:$0x2900] =	vst v1;
	v1 =	vshrl.u32 v2, $0x10  }
0x3c: {  	[tilespmem:$0x2810] =	vst v1;
	v1 =	vand.u32 $0xFFFF, v2;
	v2 =	vld [tilespmem:$0x40]  }
0x3d: {  	[tilespmem:$0x2910] =	vst v1;
	v1 =	vshrl.u32 v3, $0x10  }
0x3e: {  	[tilespmem:$0x2820] =	vst v1;
	v1 =	vand.u32 $0xFFFF, v3;
	v3 =	vld [tilespmem:$0x50]  }
0x3f: {  	[tilespmem:$0x2920] =	vst v1;
	v1 =	vshrl.u32 v62, $0x10  }
0x40: {  	v63 =	vld [tilespmem:$0x60];
	[tilespmem:$0x2830] =	vst v1;
	v1 =	vand.u32 $0xFFFF, v62  }
0x41: {  	[tilespmem:$0x2930] =	vst v1;
	v1 =	vshrl.u32 v2, $0x10  }
0x42: {  	[tilespmem:$0x2840] =	vst v1;
	v1 =	vand.u32 $0xFFFF, v2;
	v2 =	vld [tilespmem:$0x70]  }
0x43: {  	[tilespmem:$0x2940] =	vst v1;
	v1 =	vshrl.u32 v3, $0x10  }
0x44: {  	[tilespmem:$0x2850] =	vst v1;
	v1 =	vand.u32 $0xFFFF, v3  }
0x45: {  	[tilespmem:$0x2950] =	vst v1;
	v1 =	vshrl.u32 v63, $0x10  }
0x46: {  	[tilespmem:$0x2860] =	vst v1;
	v1 =	vand.u32 $0xFFFF, v63  }
0x47: {  	[tilespmem:$0x2960] =	vst v1;
	v1 =	vshrl.u32 v2, $0x10  }
0x48: {  	[tilespmem:$0x2870] =	vst v1;
	v1 =	vand.u32 $0xFFFF, v2  }
0x49: {  	s31 =	simm.s32 $0x0;
	[tilespmem:$0x2970] =	vst v1  }
0x4a: {  	[tilespmem:s13], [sflag:$0x1] =	stream.indirect.gather [hbm4b:s0+s15], $0x80, s16, s15, $0xb8;
	[tilespmem:$0x1EA00] =	vst v63  }
0x4b: {  	v1 =	vld [tilespmem:s31+$0x80];
	_ =	sdelay $0x4  }
0x4c: {  	v2 =	vshrl.u32 v1, $0x10  }
0x4d: {  	v1 =	vand.u32 $0xFFFF, v1;
	[tilespmem:$0x2880] =	vst v2  }
0x4e: {  	[tilespmem:$0x2980] =	vst v1  }
0x4f: {  	v1 =	vld [tilespmem:s31+$0x90];
	_ =	sdelay $0x4  }
0x50: {  	v2 =	vshrl.u32 v1, $0x10  }
0x51: {  	v1 =	vand.u32 $0xFFFF, v1;
	[tilespmem:$0x2890] =	vst v2  }
0x52: {  	[tilespmem:$0x2990] =	vst v1  }
0x53: {  	v1 =	vld [tilespmem:s31+$0xA0];
	_ =	sdelay $0x4  }
0x54: {  	v2 =	vshrl.u32 v1, $0x10  }
0x55: {  	v1 =	vand.u32 $0xFFFF, v1;
	[tilespmem:$0x28A0] =	vst v2  }
0x56: {  	[tilespmem:$0x29A0] =	vst v1  }
0x57: {  	v1 =	vld [tilespmem:s31+$0xB0];
	_ =	sdelay $0x4  }
0x58: {  	v2 =	vshrl.u32 v1, $0x10  }
0x59: {  	v1 =	vand.u32 $0xFFFF, v1;
	[tilespmem:$0x28B0] =	vst v2  }
0x5a: {  	[tilespmem:$0x29B0] =	vst v1  }
0x5b: {  	v1 =	vld [tilespmem:s31+$0xC0];
	_ =	sdelay $0x4  }
0x5c: {  	v2 =	vshrl.u32 v1, $0x10  }
0x5d: {  	v1 =	vand.u32 $0xFFFF, v1;
	[tilespmem:$0x28C0] =	vst v2  }
0x5e: {  	[tilespmem:$0x29C0] =	vst v1  }
0x5f: {  	v1 =	vld [tilespmem:s31+$0xD0];
	_ =	sdelay $0x4  }
0x60: {  	v2 =	vshrl.u32 v1, $0x10  }
0x61: {  	v1 =	vand.u32 $0xFFFF, v1;
	[tilespmem:$0x28D0] =	vst v2  }
0x62: {  	[tilespmem:$0x29D0] =	vst v1  }
0x63: {  	v1 =	vld [tilespmem:s31+$0xE0];
	_ =	sdelay $0x4  }
0x64: {  	v2 =	vshrl.u32 v1, $0x10  }
0x65: {  	v1 =	vand.u32 $0xFFFF, v1;
	[tilespmem:$0x28E0] =	vst v2  }
0x66: {  	[tilespmem:$0x29E0] =	vst v1  }
0x67: {  	v1 =	vld [tilespmem:s31+$0xF0];
	_ =	sdelay $0x4  }
0x68: {  	v2 =	vshrl.u32 v1, $0x10  }
0x69: {  	v1 =	vand.u32 $0xFFFF, v1;
	[tilespmem:$0x28F0] =	vst v2  }
0x6a: {  	[tilespmem:$0x29F0] =	vst v1  }
0x6b: {  	[tilespmem:s18], [sflag:$0x2] =	stream.indirect.gather [hbm4b:s0+s15], $0x80, s17, s15, $0xb8;
	[tilespmem:$0x1EA00] =	vst v63  }
0x6c: {  	_ =	swait.ge [sflag:s19], $0x4000  }
0x6d: {  	[sflag:s19] =	ssyncset.done $0x0  }
0x6e: {  	[sflag:s19] =	ssyncadd.s32 $0xFFFFC000  }
0x6f: {  	[spmem:s3] =	stream.indirect.scatter.add.f32 [tilespmem:s13], [sflag:$0x3], $0x80, s20, s15, $0xb8;
	[tilespmem:$0x1EA00] =	vst v63  }
0x70: {  	_ =	swait.ge [sflag:s14], $0x4000  }
0x71: {  	p1 =	por $0x0, $0x0;
	[sflag:s14] =	ssyncset.done $0x0  }
0x72: {  	s25 =	simm.s32 @!p1 $0x0;
	[sflag:s14] =	ssyncadd.s32 $0xFFFFC000  }
0x73: {  	v1 =	vld @!p1 [tilespmem:s25+$0x100];
	_ =	sdelay $0x4  }
0x74: {  	v2 =	vshrl.u32 @!p1 v1, $0x10  }
0x75: {  	v1 =	vand.u32 @!p1 $0xFFFF, v1;
	[tilespmem:$0x2800] =	vst @!p1 v2  }
0x76: {  	[tilespmem:$0x2900] =	vst @!p1 v1  }
0x77: {  	v1 =	vld @!p1 [tilespmem:s25+$0x110];
	_ =	sdelay $0x4  }
0x78: {  	v2 =	vshrl.u32 @!p1 v1, $0x10  }
0x79: {  	v1 =	vand.u32 @!p1 $0xFFFF, v1;
	[tilespmem:$0x2810] =	vst @!p1 v2  }
0x7a: {  	[tilespmem:$0x2910] =	vst @!p1 v1  }
0x7b: {  	v1 =	vld @!p1 [tilespmem:s25+$0x120];
	_ =	sdelay $0x4  }
0x7c: {  	v2 =	vshrl.u32 @!p1 v1, $0x10  }
0x7d: {  	v1 =	vand.u32 @!p1 $0xFFFF, v1;
	[tilespmem:$0x2820] =	vst @!p1 v2  }
0x7e: {  	[tilespmem:$0x2920] =	vst @!p1 v1  }
0x7f: {  	v1 =	vld @!p1 [tilespmem:s25+$0x130];
	_ =	sdelay $0x4  }
0x80: {  	v2 =	vshrl.u32 @!p1 v1, $0x10  }
0x81: {  	v1 =	vand.u32 @!p1 $0xFFFF, v1;
	[tilespmem:$0x2830] =	vst @!p1 v2  }
0x82: {  	[tilespmem:$0x2930] =	vst @!p1 v1  }
0x83: {  	v1 =	vld @!p1 [tilespmem:s25+$0x140];
	_ =	sdelay $0x4  }
0x84: {  	v2 =	vshrl.u32 @!p1 v1, $0x10  }
0x85: {  	v1 =	vand.u32 @!p1 $0xFFFF, v1;
	[tilespmem:$0x2840] =	vst @!p1 v2  }
0x86: {  	[tilespmem:$0x2940] =	vst @!p1 v1  }
0x87: {  	v1 =	vld @!p1 [tilespmem:s25+$0x150];
	_ =	sdelay $0x4  }
0x88: {  	v2 =	vshrl.u32 @!p1 v1, $0x10  }
0x89: {  	v1 =	vand.u32 @!p1 $0xFFFF, v1;
	[tilespmem:$0x2850] =	vst @!p1 v2  }
0x8a: {  	[tilespmem:$0x2950] =	vst @!p1 v1  }
0x8b: {  	v1 =	vld @!p1 [tilespmem:s25+$0x160];
	_ =	sdelay $0x4  }
0x8c: {  	s28 =	simm.s32 @!p1 $0x80;
	v2 =	vshrl.u32 @!p1 v1, $0x10  }
0x8d: {  	s29 =	simm.s32 @!p1 $0x2800;
	s30 =	simm.s32 @!p1 $0x2A00;
	s24 =	simm.s32 $0x400;
	v1 =	vand.u32 @!p1 $0xFFFF, v1;
	[tilespmem:$0x2860] =	vst @!p1 v2  }
.LBB2_4:
0x8e: {  	[tilespmem:$0x2960] =	vst @!p1 v1;
	s26 =	smov.u32 s24;
	s24 =	sadd.s32 $0x400, s24  }
0x8f: {  	p0 =	sne.s32 s24, $0xA000;
	v1 =	vld @!p1 [tilespmem:s25+$0x170];
	_ =	sdelay $0x4  }
0x90: {  	v2 =	vshrl.u32 @!p1 v1, $0x10;
	v1 =	vand.u32 @!p1 $0xFFFF, v1  }
0x91: {  	[tilespmem:$0x2870] =	vst @!p1 v2  }
0x92: {  	[tilespmem:$0x2970] =	vst @!p1 v1  }
0x93: {  	[tilespmem:s30], [sflag:$0x1] =	stream.indirect.gather @!p1 [hbm4b:s0+s28], $0x80, s29, s28, $0xb8;
	[tilespmem:$0x1EA00] =	vst v63  }
0x94: {  	_ =	swait.ge [sflag:s21], $0x4000  }
0x95: {  	[sflag:s21] =	ssyncset.done $0x0  }
0x96: {  	[sflag:s21] =	ssyncadd.s32 $0xFFFFC000  }
0x97: {  	[spmem:s3] =	stream.indirect.scatter.add.f32 [tilespmem:s18], [sflag:$0x3], $0x80, s22, s15, $0xb8;
	[tilespmem:$0x1EA00] =	vst v63  }
0x98: {  	_ =	swait.ge [sflag:s14], $0x4000  }
0x99: {  	[sflag:s14] =	ssyncset.done $0x0  }
0x9a: {  	s25 =	sshra.s32 s26, $0x2;
	[sflag:s14] =	ssyncadd.s32 $0xFFFFC000  }
0x9b: {  	v1 =	vld [tilespmem:s25+$0x80];
	_ =	sdelay $0x4  }
0x9c: {  	v2 =	vshrl.u32 v1, $0x10;
	v1 =	vand.u32 $0xFFFF, v1  }
0x9d: {  	[tilespmem:$0x2880] =	vst v2  }
0x9e: {  	[tilespmem:$0x2980] =	vst v1  }
0x9f: {  	v1 =	vld [tilespmem:s25+$0x90];
	_ =	sdelay $0x4  }
0xa0: {  	v2 =	vshrl.u32 v1, $0x10;
	v1 =	vand.u32 $0xFFFF, v1  }
0xa1: {  	[tilespmem:$0x2890] =	vst v2  }
0xa2: {  	[tilespmem:$0x2990] =	vst v1  }
0xa3: {  	v1 =	vld [tilespmem:s25+$0xA0];
	_ =	sdelay $0x4  }
0xa4: {  	v2 =	vshrl.u32 v1, $0x10;
	v1 =	vand.u32 $0xFFFF, v1  }
0xa5: {  	[tilespmem:$0x28A0] =	vst v2  }
0xa6: {  	[tilespmem:$0x29A0] =	vst v1  }
0xa7: {  	v1 =	vld [tilespmem:s25+$0xB0];
	_ =	sdelay $0x4  }
0xa8: {  	v2 =	vshrl.u32 v1, $0x10;
	v1 =	vand.u32 $0xFFFF, v1  }
0xa9: {  	[tilespmem:$0x28B0] =	vst v2  }
0xaa: {  	[tilespmem:$0x29B0] =	vst v1  }
0xab: {  	v1 =	vld [tilespmem:s25+$0xC0];
	_ =	sdelay $0x4  }
0xac: {  	v2 =	vshrl.u32 v1, $0x10;
	v1 =	vand.u32 $0xFFFF, v1  }
0xad: {  	[tilespmem:$0x28C0] =	vst v2  }
0xae: {  	[tilespmem:$0x29C0] =	vst v1  }
0xaf: {  	v1 =	vld [tilespmem:s25+$0xD0];
	_ =	sdelay $0x4  }
0xb0: {  	v2 =	vshrl.u32 v1, $0x10;
	v1 =	vand.u32 $0xFFFF, v1  }
0xb1: {  	[tilespmem:$0x28D0] =	vst v2  }
0xb2: {  	[tilespmem:$0x29D0] =	vst v1  }
0xb3: {  	v1 =	vld [tilespmem:s25+$0xE0];
	_ =	sdelay $0x4  }
0xb4: {  	v2 =	vshrl.u32 v1, $0x10;
	v1 =	vand.u32 $0xFFFF, v1  }
0xb5: {  	[tilespmem:$0x28E0] =	vst v2  }
0xb6: {  	[tilespmem:$0x29E0] =	vst v1  }
0xb7: {  	v1 =	vld [tilespmem:s25+$0xF0];
	_ =	sdelay $0x4  }
0xb8: {  	v2 =	vshrl.u32 v1, $0x10;
	v1 =	vand.u32 $0xFFFF, v1  }
0xb9: {  	p1 =	seq.s32 s26, $0x9C00;
	[tilespmem:$0x28F0] =	vst v2  }
0xba: {  	s25 =	sshra.s32 @!p1 s26, $0x2;
	[tilespmem:$0x29F0] =	vst v1  }
0xbb: {  	[tilespmem:s18], [sflag:$0x2] =	stream.indirect.gather [hbm4b:s0+s15], $0x80, s17, s15, $0xb8;
	[tilespmem:$0x1EA00] =	vst v63  }
0xbc: {  	_ =	swait.ge [sflag:s19], $0x4000  }
0xbd: {  	[sflag:s19] =	ssyncset.done $0x0  }
0xbe: {  	[sflag:s19] =	ssyncadd.s32 $0xFFFFC000  }
0xbf: {  	[spmem:s3] =	stream.indirect.scatter.add.f32 [tilespmem:s13], [sflag:$0x3], $0x80, s20, s15, $0xb8;
	[tilespmem:$0x1EA00] =	vst v63  }
0xc0: {  	_ =	swait.ge [sflag:s14], $0x4000  }
0xc1: {  	[sflag:s14] =	ssyncset.done $0x0  }
0xc2: {  	[sflag:s14] =	ssyncadd.s32 $0xFFFFC000  }
0xc3: {  	v1 =	vld @!p1 [tilespmem:s25+$0x100];
	_ =	sdelay $0x4  }
0xc4: {  	v2 =	vshrl.u32 @!p1 v1, $0x10;
	v1 =	vand.u32 @!p1 $0xFFFF, v1  }
0xc5: {  	[tilespmem:$0x2800] =	vst @!p1 v2  }
0xc6: {  	[tilespmem:$0x2900] =	vst @!p1 v1  }
0xc7: {  	v1 =	vld @!p1 [tilespmem:s25+$0x110];
	_ =	sdelay $0x4  }
0xc8: {  	v2 =	vshrl.u32 @!p1 v1, $0x10;
	v1 =	vand.u32 @!p1 $0xFFFF, v1  }
0xc9: {  	[tilespmem:$0x2810] =	vst @!p1 v2  }
0xca: {  	[tilespmem:$0x2910] =	vst @!p1 v1  }
0xcb: {  	v1 =	vld @!p1 [tilespmem:s25+$0x120];
	_ =	sdelay $0x4  }
0xcc: {  	v2 =	vshrl.u32 @!p1 v1, $0x10;
	v1 =	vand.u32 @!p1 $0xFFFF, v1  }
0xcd: {  	[tilespmem:$0x2820] =	vst @!p1 v2  }
0xce: {  	[tilespmem:$0x2920] =	vst @!p1 v1  }
0xcf: {  	v1 =	vld @!p1 [tilespmem:s25+$0x130];
	_ =	sdelay $0x4  }
0xd0: {  	v2 =	vshrl.u32 @!p1 v1, $0x10;
	v1 =	vand.u32 @!p1 $0xFFFF, v1  }
0xd1: {  	[tilespmem:$0x2830] =	vst @!p1 v2  }
0xd2: {  	[tilespmem:$0x2930] =	vst @!p1 v1  }
0xd3: {  	v1 =	vld @!p1 [tilespmem:s25+$0x140];
	_ =	sdelay $0x4  }
0xd4: {  	v2 =	vshrl.u32 @!p1 v1, $0x10;
	v1 =	vand.u32 @!p1 $0xFFFF, v1  }
0xd5: {  	[tilespmem:$0x2840] =	vst @!p1 v2  }
0xd6: {  	[tilespmem:$0x2940] =	vst @!p1 v1  }
0xd7: {  	v1 =	vld @!p1 [tilespmem:s25+$0x150];
	_ =	sdelay $0x4  }
0xd8: {  	v2 =	vshrl.u32 @!p1 v1, $0x10;
	v1 =	vand.u32 @!p1 $0xFFFF, v1  }
0xd9: {  	[tilespmem:$0x2850] =	vst @!p1 v2  }
0xda: {  	s28 =	simm.s32 @!p1 $0x80;
	s29 =	simm.s32 @!p1 $0x2800;
	s30 =	simm.s32 @!p1 $0x2A00;
	[tilespmem:$0x2950] =	vst @!p1 v1  }
0xdb: {  	v1 =	vld @!p1 [tilespmem:s25+$0x160];
	_ =	sdelay $0x1  }
.Ltmp1:
0xdc: {  	(pc) =	sbr.rel @p0 .LBB2_4-.Ltmp1, $3  }
0xdd: {  	_ =	sdelay $0x1  }
0xde: {  	v2 =	vshrl.u32 @!p1 v1, $0x10;
	v1 =	vand.u32 @!p1 $0xFFFF, v1  }
0xdf: {  	[tilespmem:$0x2860] =	vst @!p1 v2  }
0xe0: {  	[tilespmem:$0x2960] =	vst @!p1 v1  }
0xe1: {  	v1 =	vld @!p1 [tilespmem:s25+$0x170];
	_ =	sdelay $0x4  }
0xe2: {  	v2 =	vshrl.u32 @!p1 v1, $0x10  }
0xe3: {  	v1 =	vand.u32 @!p1 $0xFFFF, v1;
	[tilespmem:$0x2870] =	vst @!p1 v2  }
0xe4: {  	[tilespmem:$0x2970] =	vst @!p1 v1  }
0xe5: {  	[tilespmem:s30], [sflag:$0x1] =	stream.indirect.gather @!p1 [hbm4b:s0+s28], $0x80, s29, s28, $0xb8;
	[tilespmem:$0x1EA00] =	vst v63  }
0xe6: {  	_ =	swait.ge [sflag:s21], $0x4000  }
0xe7: {  	[sflag:s21] =	ssyncset.done $0x0  }
0xe8: {  	[sflag:s21] =	ssyncadd.s32 $0xFFFFC000  }
0xe9: {  	[spmem:s3] =	stream.indirect.scatter.add.f32 [tilespmem:s18], [sflag:$0x3], $0x80, s22, s15, $0xb8;
	[tilespmem:$0x1EA00] =	vst v63  }
0xea: {  	_ =	swait.ge [sflag:s14], $0x4000  }
0xeb: {  	s24 =	sshll.u32 s1, $0x6;
	s23 =	sadd.s32 $0x1, s23;
	[sflag:s14] =	ssyncset.done $0x0  }
0xec: {  	s31 =	sshrl.u32 s5, $0x3;
	p0 =	sne.s32 s23, s12;
	[sflag:s14] =	ssyncadd.s32 $0xFFFFC000  }
.Ltmp2:
0xed: {  	s24 =	sor.u32 $0x1C03, s24;
	[bflag:$0x0] =	sbarrier.arrive $0xFFFF;
	(pc) =	sbr.rel @p0 .LBB2_1-.Ltmp2, $4  }
0xee: {  	[hbm:s11], [sflag:s24] =	dma.local [spmem:s31], $0x2800  }
0xef: {  	_ =	swait.ge [sflag:s14], $0x2800  }
0xf0: {  	[sflag:s14] =	ssyncset.done $0x0  }
0xf1: {  	[sflag:s14] =	ssyncadd.s32 $0xFFFFD800  }
0xf2: {  	_ =	sfence.sel $0x180000  }
0xf3: {  	[bflag:$0x0] =	sbarrier.arrive $0xFFFF  }
0xf4: {  	p0 =	sne.s32 s1, $0x0;
	_ =	strace $0x90000047  }
0xf5: {  	s0 =	sadd.s32 @!p0 $0x100000, s2;
	[bflag:$0x2] =	sbarrier.arrive $0xFFFF  }
0xf6: {  	[sflag:s0] =	ssyncadd.tile.s32 @!p0 $0x1;
	_ =	shalt  }
.Lfunc_end2:
_tile_overlayer_lowered:
.L_overlay_start_2:
0xf7: {  	(tag) =	ssettag $0x2  }
0xf8: {  	s0 =	rddreg [dreg:$0x0];
	s2 =	stileid.u32  }
0xf9: {  	s1 =	rddreg [dreg:$0x1];
	p0 =	sne.s32 s2, $0x0  }
0xfa: {  	s3 =	rddreg [dreg:$0x2];
	[bflag:$0x3] =	sbarrier.arrive $0xFFFF;
	s2 =	simm.s32 @!p0 $0x1C03  }
0xfb: {  	[timem:s3], [sflag:s2] =	dma.local @!p0 [hbm:s0], s1  }
0xfc: {  	s0 =	simm.s32 @!p0 $0x3  }
0xfd: {  	_ =	swait.ge @!p0 [sflag:s0], s1  }
0xfe: {  	s1 =	ssub.s32 @!p0 $0x0, s1;
	[sflag:s0] =	ssyncset.done @!p0 $0x0  }
0xff: {  	[sflag:s0] =	ssyncadd.s32 @!p0 s1  }
0x100: {  	[bflag:$0x3] =	sbarrier.arrive $0xFFFF  }
0x101: {  	_ =	shalt  }

</sc_bundles>
